<compile_context>
chip_gen: v7x
topology: tpu7x:2x2x1
jax: 0.10.2.dev20260603
libtpu: 0.0.44.dev20260713+nightly
codegen_flags: <defaults>
</compile_context>

<pallas_src>
import functools

import jax
import jax.numpy as jnp
from jax import lax
from jax.experimental import pallas as pl
from jax.experimental.pallas import tpu as pltpu
from jax.experimental.pallas import tpu_sc as plsc

_B = 32
_NB = 8732
_C = 21
_M = 50
_N = _B * _NB
_ROWS = _N // 128
_P = 2048
_NWORK = 32
_PW = _P // _NWORK
_BLK = 2048


def _lse_body(conf_ref, score_ref, lse_ref):
    x = conf_ref[...]
    m = jnp.max(x, axis=0, keepdims=True)
    s = jnp.sum(jnp.exp(x - m), axis=0, keepdims=True)
    lse = m + jnp.log(s)
    score_ref[...] = x[0:1, :] - lse
    lse_ref[...] = lse


def _orderable(x):
    i = lax.bitcast_convert_type(x, jnp.int32)
    return i ^ ((i >> 31) & jnp.int32(0x7FFFFFFF))


def _loss_body(score_ref, sg_ref, lg_ref, cg_ref, wv_ref, wp_ref,
               bb_ref, pb_ref, tb_ref, closs_ref, bloss_ref):
    wv = wv_ref[...]
    wp = wp_ref[...]
    pnum = jnp.sum(wp)
    pos_sum = jnp.sum(wp * (cg_ref[...] - lg_ref[...]))

    px1, py1, px2, py2 = pb_ref[0], pb_ref[1], pb_ref[2], pb_ref[3]
    tx1, ty1, tx2, ty2 = tb_ref[0], tb_ref[1], tb_ref[2], tb_ref[3]
    pw = px2 - px1
    ph = py2 - py1
    enc = ((tx1 + tx2) * 0.5 - (px1 + px2) * 0.5) / pw, \
          ((ty1 + ty2) * 0.5 - (py1 + py2) * 0.5) / ph, \
          jnp.log((tx2 - tx1) / pw), \
          jnp.log((ty2 - ty1) / ph)
    bsum = jnp.float32(0.0)
    for d in range(4):
        diff = bb_ref[d] - enc[d]
        ad = jnp.abs(diff)
        sl1 = jnp.where(ad < 1.0, 0.5 * diff * diff, ad - 0.5)
        bsum = bsum + jnp.sum(wv * sl1)
    bcount = 4.0 * jnp.sum(wv)

    sc = score_ref[...]
    skey = _orderable(sc)
    mskey = jnp.where(wv > 0.0, _orderable(sg_ref[...]),
                      jnp.int32(0x7FFFFFFF))
    t_i = (3.0 * pnum).astype(jnp.int32)
    sign = jnp.int32(-0x80000000)

    def step(it, p):
        b = 31 - it
        c = p | (jnp.int32(1) << b)
        cs = c ^ sign
        cnt = (jnp.sum((skey < cs).astype(jnp.int32))
               - jnp.sum((mskey < cs).astype(jnp.int32)))
        return jnp.where(cnt < t_i, c, p)

    p = lax.fori_loop(0, 32, step, jnp.int32(0))
    vkey = p ^ sign
    vi = jnp.where(vkey >= 0, vkey, vkey ^ jnp.int32(0x7FFFFFFF))
    vf = lax.bitcast_convert_type(vi, jnp.float32)
    lt = skey < vkey
    mlt = mskey < vkey
    cnt_lt = (jnp.sum(lt.astype(jnp.float32))
              - jnp.sum(mlt.astype(jnp.float32)))
    sum_lt = (jnp.sum(jnp.where(lt, sc, 0.0))
              - jnp.sum(jnp.where(mlt, sg_ref[...], 0.0)))
    t_f = t_i.astype(jnp.float32)
    neg_sum = sum_lt + (t_f - cnt_lt) * vf

    closs_ref[0, 0] = -(pos_sum + neg_sum) / (pnum + t_f)
    bloss_ref[0, 0] = bsum / bcount


def _sc_gather(idx_hbm, score_hbm, lse_hbm, cflat_hbm, bbfl_hbm, pdfl_hbm,
               out_hbm, idx_v, dat_v, sem):
    wid = lax.axis_index("s") * 2 + lax.axis_index("c")
    base = wid * _PW
    tables = (score_hbm, lse_hbm, cflat_hbm,
              bbfl_hbm, bbfl_hbm, bbfl_hbm, bbfl_hbm,
              pdfl_hbm, pdfl_hbm, pdfl_hbm, pdfl_hbm)
    for j, tab in enumerate(tables):
        pltpu.sync_copy(idx_hbm.at[j, pl.ds(base, _PW)], idx_v)
        pltpu.async_copy(tab.at[idx_v], dat_v, sem).wait()
        pltpu.sync_copy(dat_v, out_hbm.at[j, pl.ds(base, _PW)])


def kernel(confOut, bboxOut, target, predBoxes):
    num = target[:, 0].astype(jnp.int32)
    rest = target[:, 1:1 + 6 * _M].reshape(_B, _M, 6)
    cls = rest[:, :, 0].astype(jnp.int32)
    tbx = rest[:, :, 1:5]
    kk = jnp.clip(rest[:, :, 5].astype(jnp.int32), 0, _NB - 1)
    valid = jnp.arange(_M)[None, :] < num[:, None]
    posm = valid & (cls > 0)
    fi = jnp.where(valid, jnp.arange(_B)[:, None] * _NB + kk, 0)
    ci = jnp.where(posm, fi * _C + jnp.clip(cls, 0, _C - 1), 0)
    kidx = jnp.where(valid, kk, 0)
    wv = valid.astype(jnp.float32)
    wp = posm.astype(jnp.float32)
    safe = jnp.array([0.0, 0.0, 1.0, 1.0], jnp.float32)
    tbs = jnp.where(valid[:, :, None], tbx, safe)

    pad = _P - _B * _M
    fi_p = jnp.concatenate([fi.reshape(-1), jnp.zeros(pad, jnp.int32)])
    ci_p = jnp.concatenate([ci.reshape(-1), jnp.zeros(pad, jnp.int32)])
    kk_p = jnp.concatenate([kidx.reshape(-1), jnp.zeros(pad, jnp.int32)])
    wv_p = jnp.concatenate([wv.reshape(-1), jnp.zeros(pad, jnp.float32)])
    wp_p = jnp.concatenate([wp.reshape(-1), jnp.zeros(pad, jnp.float32)])
    tb_p = jnp.concatenate(
        [tbs.reshape(-1, 4), jnp.broadcast_to(safe, (pad, 4))])

    fi4 = fi_p * 4
    pk4 = kk_p * 4
    idx_all = jnp.stack([fi_p, fi_p, ci_p,
                         fi4, fi4 + 1, fi4 + 2, fi4 + 3,
                         pk4, pk4 + 1, pk4 + 2, pk4 + 3])

    conf_t = confOut.reshape(_N, _C).T
    cflat = confOut.reshape(_N * _C)
    bbfl = bboxOut.reshape(_N * 4)
    pdfl = predBoxes.reshape(_NB * 4)

    grid_a = (_N + _BLK - 1) // _BLK
    score0, lse = pl.pallas_call(
        _lse_body,
        grid=(grid_a,),
        in_specs=[pl.BlockSpec((_C, _BLK), lambda i: (0, i))],
        out_specs=[pl.BlockSpec((1, _BLK), lambda i: (0, i)),
                   pl.BlockSpec((1, _BLK), lambda i: (0, i))],
        out_shape=[jax.ShapeDtypeStruct((1, _N), jnp.float32),
                   jax.ShapeDtypeStruct((1, _N), jnp.float32)],
    )(conf_t)

    score_flat = score0.reshape(_N)
    lse_flat = lse.reshape(_N)

    mesh = plsc.VectorSubcoreMesh(core_axis_name="c", subcore_axis_name="s",
                                  num_cores=2, num_subcores=16)
    gath = pl.kernel(
        _sc_gather,
        out_type=jax.ShapeDtypeStruct((11, _P), jnp.float32),
        mesh=mesh,
        scratch_types=[pltpu.VMEM((_PW,), jnp.int32),
                       pltpu.VMEM((_PW,), jnp.float32),
                       pltpu.SemaphoreType.DMA],
    )(idx_all, score_flat, lse_flat, cflat, bbfl, pdfl)

    shp = (_P // 128, 128)
    closs, bloss = pl.pallas_call(
        _loss_body,
        out_specs=[pl.BlockSpec(memory_space=pltpu.SMEM),
                   pl.BlockSpec(memory_space=pltpu.SMEM)],
        out_shape=[jax.ShapeDtypeStruct((1, 1), jnp.float32),
                   jax.ShapeDtypeStruct((1, 1), jnp.float32)],
    )(score0.reshape(_ROWS, 128), gath[0].reshape(shp),
      gath[1].reshape(shp), gath[2].reshape(shp),
      wv_p.reshape(shp), wp_p.reshape(shp),
      gath[3:7].reshape(4, *shp), gath[7:11].reshape(4, *shp),
      tb_p.T.reshape(4, *shp))

    return (closs[0, 0], bloss[0, 0])

# --- scband reference (transcript-rebuilt; emitter-appended) ---
"""Pipeline reference for scband-ez-detect-loss-16939351015940 (READ-ONLY COPY).

The authoritative reference and input builder live on the scoring server;
editing this copy changes nothing except your own understanding.
"""

import jax, jax.numpy as jnp
import numpy as np

CLASS_NUMBER = 21
BOX_NUMBER = 8732
BATCH = 32
MAX_OBJ = 50


def _encode_box(true_box, pred_box):
    pcx = (pred_box[0] + pred_box[2]) / 2.0
    pcy = (pred_box[1] + pred_box[3]) / 2.0
    pw = pred_box[2] - pred_box[0]
    ph = pred_box[3] - pred_box[1]
    tcx = (true_box[0] + true_box[2]) / 2.0
    tcy = (true_box[1] + true_box[3]) / 2.0
    tw = true_box[2] - true_box[0]
    th = true_box[3] - true_box[1]
    return np.array([(tcx - pcx) / pw, (tcy - pcy) / ph, np.log(tw / pw), np.log(th / ph)], dtype=np.float32)


def _build_targets(conf_np, target_np, pred_np):
    B, NB, C = conf_np.shape
    conf_mask_row = np.zeros((B, NB), dtype=bool)
    conf_target = np.zeros((B, NB), dtype=np.int64)
    logsm = np.asarray(jax.nn.log_softmax(jnp.asarray(conf_np.reshape(-1, C)), axis=-1)).reshape(B, NB, C)
    score0 = logsm[:, :, 0].copy()
    bbox_mask_row = np.zeros((B, NB), dtype=bool)
    bbox_target = np.zeros((B, NB, 4), dtype=np.float32)
    pnum = 0
    for i in range(B):
        num = int(target_np[i, 0])
        for j in range(num):
            off = j * 6
            k = int(target_np[i, off + 6])
            cls = int(target_np[i, off + 1])
            if cls > 0:
                conf_mask_row[i, k] = True
                conf_target[i, k] = cls
                score0[i, k] = 0.0
                pnum += 1
            else:
                score0[i, k] = 0.0
            true_box = target_np[i, off + 2:off + 6].astype(np.float64)
            bbox_mask_row[i, k] = True
            bbox_target[i, k, :] = _encode_box(true_box, pred_np[k].astype(np.float64))
    order = np.argsort(score0.reshape(-1), kind='stable')
    for t in range(pnum * 3):
        b = int(order[t]) // NB
        k = int(order[t]) % NB
        if conf_mask_row[b, k]:
            break
        conf_mask_row[b, k] = True
        conf_target[b, k] = 0
    conf_idx = np.nonzero(conf_mask_row.reshape(-1))[0]
    bbox_idx = np.nonzero(bbox_mask_row.reshape(-1))[0]
    return conf_idx, conf_target.reshape(-1)[conf_idx], bbox_idx, bbox_target.reshape(-1, 4)[bbox_idx]


def setup_inputs(seed: int = 0) -> dict:
    key = jax.random.key(seed)
    k1, k2 = jax.random.split(key)
    confOut = jax.random.normal(k1, (BATCH, BOX_NUMBER, CLASS_NUMBER), dtype=jnp.float32)
    bboxOut = jax.random.normal(k2, (BATCH, BOX_NUMBER, 4), dtype=jnp.float32)
    rng = np.random.RandomState(0)
    target = np.zeros((BATCH, 1 + 6 * MAX_OBJ), dtype=np.float32)
    for i in range(BATCH):
        num = rng.randint(1, 11)
        target[i, 0] = num
        ks = rng.choice(BOX_NUMBER, size=num, replace=False)
        for j in range(num):
            off = j * 6
            target[i, off + 1] = rng.randint(1, CLASS_NUMBER)
            x1 = rng.uniform(0.0, 0.5)
            y1 = rng.uniform(0.0, 0.5)
            w = rng.uniform(0.05, 0.4)
            h = rng.uniform(0.05, 0.4)
            target[i, off + 2] = x1
            target[i, off + 3] = y1
            target[i, off + 4] = x1 + w
            target[i, off + 5] = y1 + h
            target[i, off + 6] = ks[j]
    cx = rng.uniform(0.1, 0.9, BOX_NUMBER)
    cy = rng.uniform(0.1, 0.9, BOX_NUMBER)
    pw = rng.uniform(0.05, 0.3, BOX_NUMBER)
    ph = rng.uniform(0.05, 0.3, BOX_NUMBER)
    predBoxes = np.stack([cx - pw / 2, cy - ph / 2, cx + pw / 2, cy + ph / 2], axis=1).astype(np.float32)
    return {"confOut": confOut, "bboxOut": bboxOut, "target": jnp.asarray(target), "predBoxes": jnp.asarray(predBoxes)}


def reference(confOut, bboxOut, target, predBoxes):
    B, NB, C = confOut.shape
    M = (target.shape[1] - 1) // 6
    tcols = target[:, 1:1 + 6 * M].reshape(B, M, 6)
    cls = tcols[:, :, 0].astype(jnp.int32)
    true_boxes = tcols[:, :, 1:5]
    k = tcols[:, :, 5].astype(jnp.int32)
    num = target[:, 0].astype(jnp.int32)
    valid = jnp.arange(M)[None, :] < num[:, None]
    pos = valid & (cls > 0)
    k_drop = jnp.where(valid, k, NB)
    kpos = jnp.where(pos, k, NB)
    bi = jnp.broadcast_to(jnp.arange(B)[:, None], (B, M))
    logsm = jax.nn.log_softmax(confOut.reshape(-1, C), axis=-1).reshape(B, NB, C)
    score0 = logsm[:, :, 0]
    conf_mask0 = jnp.zeros((B, NB), dtype=bool).at[bi, kpos].set(True, mode='drop')
    conf_target = jnp.zeros((B, NB), dtype=jnp.int32).at[bi, kpos].set(cls, mode='drop')
    score0 = score0.at[bi, k_drop].set(0.0, mode='drop')
    pb = predBoxes[jnp.clip(k, 0, NB - 1)]
    pcx = (pb[..., 0] + pb[..., 2]) / 2.0
    pcy = (pb[..., 1] + pb[..., 3]) / 2.0
    pw = pb[..., 2] - pb[..., 0]
    ph = pb[..., 3] - pb[..., 1]
    tcx = (true_boxes[..., 0] + true_boxes[..., 2]) / 2.0
    tcy = (true_boxes[..., 1] + true_boxes[..., 3]) / 2.0
    tw = true_boxes[..., 2] - true_boxes[..., 0]
    th = true_boxes[..., 3] - true_boxes[..., 1]
    enc = jnp.stack([(tcx - pcx) / pw, (tcy - pcy) / ph, jnp.log(tw / pw), jnp.log(th / ph)], axis=-1).astype(jnp.float32)
    bbox_mask = jnp.zeros((B, NB), dtype=bool).at[bi, k_drop].set(True, mode='drop')
    bbox_target = jnp.zeros((B, NB, 4), dtype=jnp.float32).at[bi, k_drop].set(enc, mode='drop')
    pnum = jnp.sum(pos.astype(jnp.int32))
    flat_score = score0.reshape(-1)
    order = jnp.argsort(flat_score, stable=True)
    already = conf_mask0.reshape(-1)[order]
    cum = jnp.cumsum(already.astype(jnp.int32))
    sel = (jnp.arange(B * NB) < 3 * pnum) & (cum == 0)
    neg_flat = jnp.zeros(B * NB, dtype=bool).at[order].set(sel)
    conf_mask_flat = conf_mask0.reshape(-1) | neg_flat
    conf_t_flat = conf_target.reshape(-1)
    logp = logsm.reshape(-1, C)
    picked = jnp.take_along_axis(logp, conf_t_flat[:, None], axis=1)[:, 0]
    ccount = jnp.sum(conf_mask_flat.astype(jnp.float32))
    confLoss = -jnp.sum(jnp.where(conf_mask_flat, picked, 0.0)) / ccount
    d = bboxOut.reshape(-1, 4) - bbox_target.reshape(-1, 4)
    ad = jnp.abs(d)
    sl1 = jnp.where(ad < 1.0, 0.5 * d * d, ad - 0.5)
    bmask = bbox_mask.reshape(-1)[:, None]
    bcount = jnp.sum(bbox_mask.astype(jnp.float32)) * 4.0
    bboxLoss = jnp.sum(jnp.where(bmask, sl1, 0.0)) / bcount
    return (confLoss, bboxLoss)

if __name__ == "__main__":
    import jax
    _d = setup_inputs()
    print(jax.jit(kernel)(*tuple(_d.values())))

</pallas_src>

<mosaic_0001>
#map = affine_map<(d0, d1) -> (0, 0)>
#map1 = affine_map<(d0, d1) -> (0)>
module attributes {stable_mosaic.version = 14 : i64} {
  func.func @_sc_gather(%arg0: i32, %arg1: i32, %arg2: memref<11x2048xi32, #tpu.memory_space<hbm>>, %arg3: memref<279424xf32, #tpu.memory_space<hbm>>, %arg4: memref<279424xf32, #tpu.memory_space<hbm>>, %arg5: memref<5867904xf32, #tpu.memory_space<hbm>>, %arg6: memref<1117696xf32, #tpu.memory_space<hbm>>, %arg7: memref<34928xf32, #tpu.memory_space<hbm>>, %arg8: memref<11x2048xf32, #tpu.memory_space<hbm>>, %arg9: memref<64xi32, #tpu.memory_space<vmem>>, %arg10: memref<64xf32, #tpu.memory_space<vmem>>, %arg11: memref<!tpu.dma_semaphore, #tpu.memory_space<semaphore_mem>>) attributes {dimension_semantics = [#tpu.dimension_semantics<core_parallel>, #tpu.dimension_semantics<subcore_parallel>], iteration_bounds = array<i64: 2, 16>, scalar_prefetch = 0 : i64, scratch_operands = 3 : i64, tpu.core_type = #tpu.core_type<sc_vector_subcore>, window_params = [{transform_indices = #map}, {transform_indices = #map1}, {transform_indices = #map1}, {transform_indices = #map1}, {transform_indices = #map1}, {transform_indices = #map1}, {transform_indices = #map}]} {
    %mul3A = arith.constant 2 : i32
    %mul3A_0 = arith.muli %arg1, %mul3A : i32
    %add3A = arith.addi %mul3A_0, %arg0 : i32
    %mul3A_1 = arith.constant 64 : i32
    %mul3A_2 = arith.muli %add3A, %mul3A_1 : i32
    %run_scoped3A = arith.constant 0 : i32
    "tpu.region"() ({
      %run_scoped3A_66 = tpu.sem_alloc : memref<!tpu.dma_semaphore, #tpu.memory_space<semaphore_mem>>
      %dma_start3A_67 = tpu.memref_slice %arg2[%run_scoped3A, %mul3A_2] : memref<11x2048xi32, #tpu.memory_space<hbm>> -> memref<1x64xi32, #tpu.memory_space<hbm>>
      %dma_start3A_68 = tpu.memref_squeeze %dma_start3A_67 : memref<1x64xi32, #tpu.memory_space<hbm>> -> memref<64xi32, #tpu.memory_space<hbm>>
      %dma_start3A_69 = tpu.memref_slice %arg2[%run_scoped3A, %mul3A_2] : memref<11x2048xi32, #tpu.memory_space<hbm>> -> memref<1x64xi32, #tpu.memory_space<hbm>>
      %dma_start3A_70 = tpu.memref_squeeze %dma_start3A_69 : memref<1x64xi32, #tpu.memory_space<hbm>> -> memref<64xi32, #tpu.memory_space<hbm>>
      tpu.enqueue_dma source(%dma_start3A_70 : memref<64xi32, #tpu.memory_space<hbm>>) target(%arg9 : memref<64xi32, #tpu.memory_space<vmem>>) target_semaphore(%run_scoped3A_66 : memref<!tpu.dma_semaphore, #tpu.memory_space<semaphore_mem>>)
      %dma_wait3A_71 = tpu.memref_slice %arg2[%run_scoped3A, %mul3A_2] : memref<11x2048xi32, #tpu.memory_space<hbm>> -> memref<1x64xi32, #tpu.memory_space<hbm>>
      %dma_wait3A_72 = tpu.memref_squeeze %dma_wait3A_71 : memref<1x64xi32, #tpu.memory_space<hbm>> -> memref<64xi32, #tpu.memory_space<hbm>>
      %dma_wait3A_73 = tpu.memref_slice %arg2[%run_scoped3A, %mul3A_2] : memref<11x2048xi32, #tpu.memory_space<hbm>> -> memref<1x64xi32, #tpu.memory_space<hbm>>
      %dma_wait3A_74 = tpu.memref_squeeze %dma_wait3A_73 : memref<1x64xi32, #tpu.memory_space<hbm>> -> memref<64xi32, #tpu.memory_space<hbm>>
      tpu.wait_dma2 semaphore(%run_scoped3A_66 : memref<!tpu.dma_semaphore, #tpu.memory_space<semaphore_mem>>) src(%dma_wait3A_74 : memref<64xi32, #tpu.memory_space<hbm>>) dst(%arg9 : memref<64xi32, #tpu.memory_space<vmem>>)
      tpu.yield
    }) : () -> ()
    %dma_start3A = arith.constant 0 : i32
    %dma_start3A_3 = tpu.memref_slice %arg3[%dma_start3A] : memref<279424xf32, #tpu.memory_space<hbm>> -> memref<279424xf32, #tpu.memory_space<hbm>>
    tpu.enqueue_indirect_dma source(%dma_start3A_3 : memref<279424xf32, #tpu.memory_space<hbm>>) target(%arg10 : memref<64xf32, #tpu.memory_space<vmem>>) offsets(%arg9 : memref<64xi32, #tpu.memory_space<vmem>>) semaphore(%arg11 : memref<!tpu.dma_semaphore, #tpu.memory_space<semaphore_mem>>)
    %dma_wait3A = arith.constant 0 : i32
    %dma_wait3A_4 = tpu.memref_slice %arg3[%dma_wait3A] : memref<279424xf32, #tpu.memory_space<hbm>> -> memref<279424xf32, #tpu.memory_space<hbm>>
    tpu.wait_indirect_dma semaphore(%arg11 : memref<!tpu.dma_semaphore, #tpu.memory_space<semaphore_mem>>) src(%dma_wait3A_4 : memref<279424xf32, #tpu.memory_space<hbm>>) dst(%arg10 : memref<64xf32, #tpu.memory_space<vmem>>)
    %run_scoped3A_5 = arith.constant 0 : i32
    "tpu.region"() ({
      %run_scoped3A_66 = tpu.sem_alloc : memref<!tpu.dma_semaphore, #tpu.memory_space<semaphore_mem>>
      %dma_start3A_67 = tpu.memref_slice %arg8[%run_scoped3A_5, %mul3A_2] : memref<11x2048xf32, #tpu.memory_space<hbm>> -> memref<1x64xf32, #tpu.memory_space<hbm>>
      %dma_start3A_68 = tpu.memref_squeeze %dma_start3A_67 : memref<1x64xf32, #tpu.memory_space<hbm>> -> memref<64xf32, #tpu.memory_space<hbm>>
      %dma_start3A_69 = tpu.memref_slice %arg8[%run_scoped3A_5, %mul3A_2] : memref<11x2048xf32, #tpu.memory_space<hbm>> -> memref<1x64xf32, #tpu.memory_space<hbm>>
      %dma_start3A_70 = tpu.memref_squeeze %dma_start3A_69 : memref<1x64xf32, #tpu.memory_space<hbm>> -> memref<64xf32, #tpu.memory_space<hbm>>
      tpu.enqueue_dma source(%arg10 : memref<64xf32, #tpu.memory_space<vmem>>) target(%dma_start3A_70 : memref<64xf32, #tpu.memory_space<hbm>>) target_semaphore(%run_scoped3A_66 : memref<!tpu.dma_semaphore, #tpu.memory_space<semaphore_mem>>)
      %dma_wait3A_71 = tpu.memref_slice %arg8[%run_scoped3A_5, %mul3A_2] : memref<11x2048xf32, #tpu.memory_space<hbm>> -> memref<1x64xf32, #tpu.memory_space<hbm>>
      %dma_wait3A_72 = tpu.memref_squeeze %dma_wait3A_71 : memref<1x64xf32, #tpu.memory_space<hbm>> -> memref<64xf32, #tpu.memory_space<hbm>>
      %dma_wait3A_73 = tpu.memref_slice %arg8[%run_scoped3A_5, %mul3A_2] : memref<11x2048xf32, #tpu.memory_space<hbm>> -> memref<1x64xf32, #tpu.memory_space<hbm>>
      %dma_wait3A_74 = tpu.memref_squeeze %dma_wait3A_73 : memref<1x64xf32, #tpu.memory_space<hbm>> -> memref<64xf32, #tpu.memory_space<hbm>>
      tpu.wait_dma2 semaphore(%run_scoped3A_66 : memref<!tpu.dma_semaphore, #tpu.memory_space<semaphore_mem>>) src(%arg10 : memref<64xf32, #tpu.memory_space<vmem>>) dst(%dma_wait3A_74 : memref<64xf32, #tpu.memory_space<hbm>>)
      tpu.yield
    }) : () -> ()
    %run_scoped3A_6 = arith.constant 1 : i32
    "tpu.region"() ({
      %run_scoped3A_66 = tpu.sem_alloc : memref<!tpu.dma_semaphore, #tpu.memory_space<semaphore_mem>>
      %dma_start3A_67 = tpu.memref_slice %arg2[%run_scoped3A_6, %mul3A_2] : memref<11x2048xi32, #tpu.memory_space<hbm>> -> memref<1x64xi32, #tpu.memory_space<hbm>>
      %dma_start3A_68 = tpu.memref_squeeze %dma_start3A_67 : memref<1x64xi32, #tpu.memory_space<hbm>> -> memref<64xi32, #tpu.memory_space<hbm>>
      %dma_start3A_69 = tpu.memref_slice %arg2[%run_scoped3A_6, %mul3A_2] : memref<11x2048xi32, #tpu.memory_space<hbm>> -> memref<1x64xi32, #tpu.memory_space<hbm>>
      %dma_start3A_70 = tpu.memref_squeeze %dma_start3A_69 : memref<1x64xi32, #tpu.memory_space<hbm>> -> memref<64xi32, #tpu.memory_space<hbm>>
      tpu.enqueue_dma source(%dma_start3A_70 : memref<64xi32, #tpu.memory_space<hbm>>) target(%arg9 : memref<64xi32, #tpu.memory_space<vmem>>) target_semaphore(%run_scoped3A_66 : memref<!tpu.dma_semaphore, #tpu.memory_space<semaphore_mem>>)
      %dma_wait3A_71 = tpu.memref_slice %arg2[%run_scoped3A_6, %mul3A_2] : memref<11x2048xi32, #tpu.memory_space<hbm>> -> memref<1x64xi32, #tpu.memory_space<hbm>>
      %dma_wait3A_72 = tpu.memref_squeeze %dma_wait3A_71 : memref<1x64xi32, #tpu.memory_space<hbm>> -> memref<64xi32, #tpu.memory_space<hbm>>
      %dma_wait3A_73 = tpu.memref_slice %arg2[%run_scoped3A_6, %mul3A_2] : memref<11x2048xi32, #tpu.memory_space<hbm>> -> memref<1x64xi32, #tpu.memory_space<hbm>>
      %dma_wait3A_74 = tpu.memref_squeeze %dma_wait3A_73 : memref<1x64xi32, #tpu.memory_space<hbm>> -> memref<64xi32, #tpu.memory_space<hbm>>
      tpu.wait_dma2 semaphore(%run_scoped3A_66 : memref<!tpu.dma_semaphore, #tpu.memory_space<semaphore_mem>>) src(%dma_wait3A_74 : memref<64xi32, #tpu.memory_space<hbm>>) dst(%arg9 : memref<64xi32, #tpu.memory_space<vmem>>)
      tpu.yield
    }) : () -> ()
    %dma_start3A_7 = arith.constant 0 : i32
    %dma_start3A_8 = tpu.memref_slice %arg4[%dma_start3A_7] : memref<279424xf32, #tpu.memory_space<hbm>> -> memref<279424xf32, #tpu.memory_space<hbm>>
    tpu.enqueue_indirect_dma source(%dma_start3A_8 : memref<279424xf32, #tpu.memory_space<hbm>>) target(%arg10 : memref<64xf32, #tpu.memory_space<vmem>>) offsets(%arg9 : memref<64xi32, #tpu.memory_space<vmem>>) semaphore(%arg11 : memref<!tpu.dma_semaphore, #tpu.memory_space<semaphore_mem>>)
    %dma_wait3A_9 = arith.constant 0 : i32
    %dma_wait3A_10 = tpu.memref_slice %arg4[%dma_wait3A_9] : memref<279424xf32, #tpu.memory_space<hbm>> -> memref<279424xf32, #tpu.memory_space<hbm>>
    tpu.wait_indirect_dma semaphore(%arg11 : memref<!tpu.dma_semaphore, #tpu.memory_space<semaphore_mem>>) src(%dma_wait3A_10 : memref<279424xf32, #tpu.memory_space<hbm>>) dst(%arg10 : memref<64xf32, #tpu.memory_space<vmem>>)
    %run_scoped3A_11 = arith.constant 1 : i32
    "tpu.region"() ({
      %run_scoped3A_66 = tpu.sem_alloc : memref<!tpu.dma_semaphore, #tpu.memory_space<semaphore_mem>>
      %dma_start3A_67 = tpu.memref_slice %arg8[%run_scoped3A_11, %mul3A_2] : memref<11x2048xf32, #tpu.memory_space<hbm>> -> memref<1x64xf32, #tpu.memory_space<hbm>>
      %dma_start3A_68 = tpu.memref_squeeze %dma_start3A_67 : memref<1x64xf32, #tpu.memory_space<hbm>> -> memref<64xf32, #tpu.memory_space<hbm>>
      %dma_start3A_69 = tpu.memref_slice %arg8[%run_scoped3A_11, %mul3A_2] : memref<11x2048xf32, #tpu.memory_space<hbm>> -> memref<1x64xf32, #tpu.memory_space<hbm>>
      %dma_start3A_70 = tpu.memref_squeeze %dma_start3A_69 : memref<1x64xf32, #tpu.memory_space<hbm>> -> memref<64xf32, #tpu.memory_space<hbm>>
      tpu.enqueue_dma source(%arg10 : memref<64xf32, #tpu.memory_space<vmem>>) target(%dma_start3A_70 : memref<64xf32, #tpu.memory_space<hbm>>) target_semaphore(%run_scoped3A_66 : memref<!tpu.dma_semaphore, #tpu.memory_space<semaphore_mem>>)
      %dma_wait3A_71 = tpu.memref_slice %arg8[%run_scoped3A_11, %mul3A_2] : memref<11x2048xf32, #tpu.memory_space<hbm>> -> memref<1x64xf32, #tpu.memory_space<hbm>>
      %dma_wait3A_72 = tpu.memref_squeeze %dma_wait3A_71 : memref<1x64xf32, #tpu.memory_space<hbm>> -> memref<64xf32, #tpu.memory_space<hbm>>
      %dma_wait3A_73 = tpu.memref_slice %arg8[%run_scoped3A_11, %mul3A_2] : memref<11x2048xf32, #tpu.memory_space<hbm>> -> memref<1x64xf32, #tpu.memory_space<hbm>>
      %dma_wait3A_74 = tpu.memref_squeeze %dma_wait3A_73 : memref<1x64xf32, #tpu.memory_space<hbm>> -> memref<64xf32, #tpu.memory_space<hbm>>
      tpu.wait_dma2 semaphore(%run_scoped3A_66 : memref<!tpu.dma_semaphore, #tpu.memory_space<semaphore_mem>>) src(%arg10 : memref<64xf32, #tpu.memory_space<vmem>>) dst(%dma_wait3A_74 : memref<64xf32, #tpu.memory_space<hbm>>)
      tpu.yield
    }) : () -> ()
    %run_scoped3A_12 = arith.constant 2 : i32
    "tpu.region"() ({
      %run_scoped3A_66 = tpu.sem_alloc : memref<!tpu.dma_semaphore, #tpu.memory_space<semaphore_mem>>
      %dma_start3A_67 = tpu.memref_slice %arg2[%run_scoped3A_12, %mul3A_2] : memref<11x2048xi32, #tpu.memory_space<hbm>> -> memref<1x64xi32, #tpu.memory_space<hbm>>
      %dma_start3A_68 = tpu.memref_squeeze %dma_start3A_67 : memref<1x64xi32, #tpu.memory_space<hbm>> -> memref<64xi32, #tpu.memory_space<hbm>>
      %dma_start3A_69 = tpu.memref_slice %arg2[%run_scoped3A_12, %mul3A_2] : memref<11x2048xi32, #tpu.memory_space<hbm>> -> memref<1x64xi32, #tpu.memory_space<hbm>>
      %dma_start3A_70 = tpu.memref_squeeze %dma_start3A_69 : memref<1x64xi32, #tpu.memory_space<hbm>> -> memref<64xi32, #tpu.memory_space<hbm>>
      tpu.enqueue_dma source(%dma_start3A_70 : memref<64xi32, #tpu.memory_space<hbm>>) target(%arg9 : memref<64xi32, #tpu.memory_space<vmem>>) target_semaphore(%run_scoped3A_66 : memref<!tpu.dma_semaphore, #tpu.memory_space<semaphore_mem>>)
      %dma_wait3A_71 = tpu.memref_slice %arg2[%run_scoped3A_12, %mul3A_2] : memref<11x2048xi32, #tpu.memory_space<hbm>> -> memref<1x64xi32, #tpu.memory_space<hbm>>
      %dma_wait3A_72 = tpu.memref_squeeze %dma_wait3A_71 : memref<1x64xi32, #tpu.memory_space<hbm>> -> memref<64xi32, #tpu.memory_space<hbm>>
      %dma_wait3A_73 = tpu.memref_slice %arg2[%run_scoped3A_12, %mul3A_2] : memref<11x2048xi32, #tpu.memory_space<hbm>> -> memref<1x64xi32, #tpu.memory_space<hbm>>
      %dma_wait3A_74 = tpu.memref_squeeze %dma_wait3A_73 : memref<1x64xi32, #tpu.memory_space<hbm>> -> memref<64xi32, #tpu.memory_space<hbm>>
      tpu.wait_dma2 semaphore(%run_scoped3A_66 : memref<!tpu.dma_semaphore, #tpu.memory_space<semaphore_mem>>) src(%dma_wait3A_74 : memref<64xi32, #tpu.memory_space<hbm>>) dst(%arg9 : memref<64xi32, #tpu.memory_space<vmem>>)
      tpu.yield
    }) : () -> ()
    %dma_start3A_13 = arith.constant 0 : i32
    %dma_start3A_14 = tpu.memref_slice %arg5[%dma_start3A_13] : memref<5867904xf32, #tpu.memory_space<hbm>> -> memref<5867904xf32, #tpu.memory_space<hbm>>
    tpu.enqueue_indirect_dma source(%dma_start3A_14 : memref<5867904xf32, #tpu.memory_space<hbm>>) target(%arg10 : memref<64xf32, #tpu.memory_space<vmem>>) offsets(%arg9 : memref<64xi32, #tpu.memory_space<vmem>>) semaphore(%arg11 : memref<!tpu.dma_semaphore, #tpu.memory_space<semaphore_mem>>)
    %dma_wait3A_15 = arith.constant 0 : i32
    %dma_wait3A_16 = tpu.memref_slice %arg5[%dma_wait3A_15] : memref<5867904xf32, #tpu.memory_space<hbm>> -> memref<5867904xf32, #tpu.memory_space<hbm>>
    tpu.wait_indirect_dma semaphore(%arg11 : memref<!tpu.dma_semaphore, #tpu.memory_space<semaphore_mem>>) src(%dma_wait3A_16 : memref<5867904xf32, #tpu.memory_space<hbm>>) dst(%arg10 : memref<64xf32, #tpu.memory_space<vmem>>)
    %run_scoped3A_17 = arith.constant 2 : i32
    "tpu.region"() ({
      %run_scoped3A_66 = tpu.sem_alloc : memref<!tpu.dma_semaphore, #tpu.memory_space<semaphore_mem>>
      %dma_start3A_67 = tpu.memref_slice %arg8[%run_scoped3A_17, %mul3A_2] : memref<11x2048xf32, #tpu.memory_space<hbm>> -> memref<1x64xf32, #tpu.memory_space<hbm>>
      %dma_start3A_68 = tpu.memref_squeeze %dma_start3A_67 : memref<1x64xf32, #tpu.memory_space<hbm>> -> memref<64xf32, #tpu.memory_space<hbm>>
      %dma_start3A_69 = tpu.memref_slice %arg8[%run_scoped3A_17, %mul3A_2] : memref<11x2048xf32, #tpu.memory_space<hbm>> -> memref<1x64xf32, #tpu.memory_space<hbm>>
      %dma_start3A_70 = tpu.memref_squeeze %dma_start3A_69 : memref<1x64xf32, #tpu.memory_space<hbm>> -> memref<64xf32, #tpu.memory_space<hbm>>
      tpu.enqueue_dma source(%arg10 : memref<64xf32, #tpu.memory_space<vmem>>) target(%dma_start3A_70 : memref<64xf32, #tpu.memory_space<hbm>>) target_semaphore(%run_scoped3A_66 : memref<!tpu.dma_semaphore, #tpu.memory_space<semaphore_mem>>)
      %dma_wait3A_71 = tpu.memref_slice %arg8[%run_scoped3A_17, %mul3A_2] : memref<11x2048xf32, #tpu.memory_space<hbm>> -> memref<1x64xf32, #tpu.memory_space<hbm>>
      %dma_wait3A_72 = tpu.memref_squeeze %dma_wait3A_71 : memref<1x64xf32, #tpu.memory_space<hbm>> -> memref<64xf32, #tpu.memory_space<hbm>>
      %dma_wait3A_73 = tpu.memref_slice %arg8[%run_scoped3A_17, %mul3A_2] : memref<11x2048xf32, #tpu.memory_space<hbm>> -> memref<1x64xf32, #tpu.memory_space<hbm>>
      %dma_wait3A_74 = tpu.memref_squeeze %dma_wait3A_73 : memref<1x64xf32, #tpu.memory_space<hbm>> -> memref<64xf32, #tpu.memory_space<hbm>>
      tpu.wait_dma2 semaphore(%run_scoped3A_66 : memref<!tpu.dma_semaphore, #tpu.memory_space<semaphore_mem>>) src(%arg10 : memref<64xf32, #tpu.memory_space<vmem>>) dst(%dma_wait3A_74 : memref<64xf32, #tpu.memory_space<hbm>>)
      tpu.yield
    }) : () -> ()
    %run_scoped3A_18 = arith.constant 3 : i32
    "tpu.region"() ({
      %run_scoped3A_66 = tpu.sem_alloc : memref<!tpu.dma_semaphore, #tpu.memory_space<semaphore_mem>>
      %dma_start3A_67 = tpu.memref_slice %arg2[%run_scoped3A_18, %mul3A_2] : memref<11x2048xi32, #tpu.memory_space<hbm>> -> memref<1x64xi32, #tpu.memory_space<hbm>>
      %dma_start3A_68 = tpu.memref_squeeze %dma_start3A_67 : memref<1x64xi32, #tpu.memory_space<hbm>> -> memref<64xi32, #tpu.memory_space<hbm>>
      %dma_start3A_69 = tpu.memref_slice %arg2[%run_scoped3A_18, %mul3A_2] : memref<11x2048xi32, #tpu.memory_space<hbm>> -> memref<1x64xi32, #tpu.memory_space<hbm>>
      %dma_start3A_70 = tpu.memref_squeeze %dma_start3A_69 : memref<1x64xi32, #tpu.memory_space<hbm>> -> memref<64xi32, #tpu.memory_space<hbm>>
      tpu.enqueue_dma source(%dma_start3A_70 : memref<64xi32, #tpu.memory_space<hbm>>) target(%arg9 : memref<64xi32, #tpu.memory_space<vmem>>) target_semaphore(%run_scoped3A_66 : memref<!tpu.dma_semaphore, #tpu.memory_space<semaphore_mem>>)
      %dma_wait3A_71 = tpu.memref_slice %arg2[%run_scoped3A_18, %mul3A_2] : memref<11x2048xi32, #tpu.memory_space<hbm>> -> memref<1x64xi32, #tpu.memory_space<hbm>>
      %dma_wait3A_72 = tpu.memref_squeeze %dma_wait3A_71 : memref<1x64xi32, #tpu.memory_space<hbm>> -> memref<64xi32, #tpu.memory_space<hbm>>
      %dma_wait3A_73 = tpu.memref_slice %arg2[%run_scoped3A_18, %mul3A_2] : memref<11x2048xi32, #tpu.memory_space<hbm>> -> memref<1x64xi32, #tpu.memory_space<hbm>>
      %dma_wait3A_74 = tpu.memref_squeeze %dma_wait3A_73 : memref<1x64xi32, #tpu.memory_space<hbm>> -> memref<64xi32, #tpu.memory_space<hbm>>
      tpu.wait_dma2 semaphore(%run_scoped3A_66 : memref<!tpu.dma_semaphore, #tpu.memory_space<semaphore_mem>>) src(%dma_wait3A_74 : memref<64xi32, #tpu.memory_space<hbm>>) dst(%arg9 : memref<64xi32, #tpu.memory_space<vmem>>)
      tpu.yield
    }) : () -> ()
    %dma_start3A_19 = arith.constant 0 : i32
    %dma_start3A_20 = tpu.memref_slice %arg6[%dma_start3A_19] : memref<1117696xf32, #tpu.memory_space<hbm>> -> memref<1117696xf32, #tpu.memory_space<hbm>>
    tpu.enqueue_indirect_dma source(%dma_start3A_20 : memref<1117696xf32, #tpu.memory_space<hbm>>) target(%arg10 : memref<64xf32, #tpu.memory_space<vmem>>) offsets(%arg9 : memref<64xi32, #tpu.memory_space<vmem>>) semaphore(%arg11 : memref<!tpu.dma_semaphore, #tpu.memory_space<semaphore_mem>>)
    %dma_wait3A_21 = arith.constant 0 : i32
    %dma_wait3A_22 = tpu.memref_slice %arg6[%dma_wait3A_21] : memref<1117696xf32, #tpu.memory_space<hbm>> -> memref<1117696xf32, #tpu.memory_space<hbm>>
    tpu.wait_indirect_dma semaphore(%arg11 : memref<!tpu.dma_semaphore, #tpu.memory_space<semaphore_mem>>) src(%dma_wait3A_22 : memref<1117696xf32, #tpu.memory_space<hbm>>) dst(%arg10 : memref<64xf32, #tpu.memory_space<vmem>>)
    %run_scoped3A_23 = arith.constant 3 : i32
    "tpu.region"() ({
      %run_scoped3A_66 = tpu.sem_alloc : memref<!tpu.dma_semaphore, #tpu.memory_space<semaphore_mem>>
      %dma_start3A_67 = tpu.memref_slice %arg8[%run_scoped3A_23, %mul3A_2] : memref<11x2048xf32, #tpu.memory_space<hbm>> -> memref<1x64xf32, #tpu.memory_space<hbm>>
      %dma_start3A_68 = tpu.memref_squeeze %dma_start3A_67 : memref<1x64xf32, #tpu.memory_space<hbm>> -> memref<64xf32, #tpu.memory_space<hbm>>
      %dma_start3A_69 = tpu.memref_slice %arg8[%run_scoped3A_23, %mul3A_2] : memref<11x2048xf32, #tpu.memory_space<hbm>> -> memref<1x64xf32, #tpu.memory_space<hbm>>
      %dma_start3A_70 = tpu.memref_squeeze %dma_start3A_69 : memref<1x64xf32, #tpu.memory_space<hbm>> -> memref<64xf32, #tpu.memory_space<hbm>>
      tpu.enqueue_dma source(%arg10 : memref<64xf32, #tpu.memory_space<vmem>>) target(%dma_start3A_70 : memref<64xf32, #tpu.memory_space<hbm>>) target_semaphore(%run_scoped3A_66 : memref<!tpu.dma_semaphore, #tpu.memory_space<semaphore_mem>>)
      %dma_wait3A_71 = tpu.memref_slice %arg8[%run_scoped3A_23, %mul3A_2] : memref<11x2048xf32, #tpu.memory_space<hbm>> -> memref<1x64xf32, #tpu.memory_space<hbm>>
      %dma_wait3A_72 = tpu.memref_squeeze %dma_wait3A_71 : memref<1x64xf32, #tpu.memory_space<hbm>> -> memref<64xf32, #tpu.memory_space<hbm>>
      %dma_wait3A_73 = tpu.memref_slice %arg8[%run_scoped3A_23, %mul3A_2] : memref<11x2048xf32, #tpu.memory_space<hbm>> -> memref<1x64xf32, #tpu.memory_space<hbm>>
      %dma_wait3A_74 = tpu.memref_squeeze %dma_wait3A_73 : memref<1x64xf32, #tpu.memory_space<hbm>> -> memref<64xf32, #tpu.memory_space<hbm>>
      tpu.wait_dma2 semaphore(%run_scoped3A_66 : memref<!tpu.dma_semaphore, #tpu.memory_space<semaphore_mem>>) src(%arg10 : memref<64xf32, #tpu.memory_space<vmem>>) dst(%dma_wait3A_74 : memref<64xf32, #tpu.memory_space<hbm>>)
      tpu.yield
    }) : () -> ()
    %run_scoped3A_24 = arith.constant 4 : i32
    "tpu.region"() ({
      %run_scoped3A_66 = tpu.sem_alloc : memref<!tpu.dma_semaphore, #tpu.memory_space<semaphore_mem>>
      %dma_start3A_67 = tpu.memref_slice %arg2[%run_scoped3A_24, %mul3A_2] : memref<11x2048xi32, #tpu.memory_space<hbm>> -> memref<1x64xi32, #tpu.memory_space<hbm>>
      %dma_start3A_68 = tpu.memref_squeeze %dma_start3A_67 : memref<1x64xi32, #tpu.memory_space<hbm>> -> memref<64xi32, #tpu.memory_space<hbm>>
      %dma_start3A_69 = tpu.memref_slice %arg2[%run_scoped3A_24, %mul3A_2] : memref<11x2048xi32, #tpu.memory_space<hbm>> -> memref<1x64xi32, #tpu.memory_space<hbm>>
      %dma_start3A_70 = tpu.memref_squeeze %dma_start3A_69 : memref<1x64xi32, #tpu.memory_space<hbm>> -> memref<64xi32, #tpu.memory_space<hbm>>
      tpu.enqueue_dma source(%dma_start3A_70 : memref<64xi32, #tpu.memory_space<hbm>>) target(%arg9 : memref<64xi32, #tpu.memory_space<vmem>>) target_semaphore(%run_scoped3A_66 : memref<!tpu.dma_semaphore, #tpu.memory_space<semaphore_mem>>)
      %dma_wait3A_71 = tpu.memref_slice %arg2[%run_scoped3A_24, %mul3A_2] : memref<11x2048xi32, #tpu.memory_space<hbm>> -> memref<1x64xi32, #tpu.memory_space<hbm>>
      %dma_wait3A_72 = tpu.memref_squeeze %dma_wait3A_71 : memref<1x64xi32, #tpu.memory_space<hbm>> -> memref<64xi32, #tpu.memory_space<hbm>>
      %dma_wait3A_73 = tpu.memref_slice %arg2[%run_scoped3A_24, %mul3A_2] : memref<11x2048xi32, #tpu.memory_space<hbm>> -> memref<1x64xi32, #tpu.memory_space<hbm>>
      %dma_wait3A_74 = tpu.memref_squeeze %dma_wait3A_73 : memref<1x64xi32, #tpu.memory_space<hbm>> -> memref<64xi32, #tpu.memory_space<hbm>>
      tpu.wait_dma2 semaphore(%run_scoped3A_66 : memref<!tpu.dma_semaphore, #tpu.memory_space<semaphore_mem>>) src(%dma_wait3A_74 : memref<64xi32, #tpu.memory_space<hbm>>) dst(%arg9 : memref<64xi32, #tpu.memory_space<vmem>>)
      tpu.yield
    }) : () -> ()
    %dma_start3A_25 = arith.constant 0 : i32
    %dma_start3A_26 = tpu.memref_slice %arg6[%dma_start3A_25] : memref<1117696xf32, #tpu.memory_space<hbm>> -> memref<1117696xf32, #tpu.memory_space<hbm>>
    tpu.enqueue_indirect_dma source(%dma_start3A_26 : memref<1117696xf32, #tpu.memory_space<hbm>>) target(%arg10 : memref<64xf32, #tpu.memory_space<vmem>>) offsets(%arg9 : memref<64xi32, #tpu.memory_space<vmem>>) semaphore(%arg11 : memref<!tpu.dma_semaphore, #tpu.memory_space<semaphore_mem>>)
    %dma_wait3A_27 = arith.constant 0 : i32
    %dma_wait3A_28 = tpu.memref_slice %arg6[%dma_wait3A_27] : memref<1117696xf32, #tpu.memory_space<hbm>> -> memref<1117696xf32, #tpu.memory_space<hbm>>
    tpu.wait_indirect_dma semaphore(%arg11 : memref<!tpu.dma_semaphore, #tpu.memory_space<semaphore_mem>>) src(%dma_wait3A_28 : memref<1117696xf32, #tpu.memory_space<hbm>>) dst(%arg10 : memref<64xf32, #tpu.memory_space<vmem>>)
    %run_scoped3A_29 = arith.constant 4 : i32
    "tpu.region"() ({
      %run_scoped3A_66 = tpu.sem_alloc : memref<!tpu.dma_semaphore, #tpu.memory_space<semaphore_mem>>
      %dma_start3A_67 = tpu.memref_slice %arg8[%run_scoped3A_29, %mul3A_2] : memref<11x2048xf32, #tpu.memory_space<hbm>> -> memref<1x64xf32, #tpu.memory_space<hbm>>
      %dma_start3A_68 = tpu.memref_squeeze %dma_start3A_67 : memref<1x64xf32, #tpu.memory_space<hbm>> -> memref<64xf32, #tpu.memory_space<hbm>>
      %dma_start3A_69 = tpu.memref_slice %arg8[%run_scoped3A_29, %mul3A_2] : memref<11x2048xf32, #tpu.memory_space<hbm>> -> memref<1x64xf32, #tpu.memory_space<hbm>>
      %dma_start3A_70 = tpu.memref_squeeze %dma_start3A_69 : memref<1x64xf32, #tpu.memory_space<hbm>> -> memref<64xf32, #tpu.memory_space<hbm>>
      tpu.enqueue_dma source(%arg10 : memref<64xf32, #tpu.memory_space<vmem>>) target(%dma_start3A_70 : memref<64xf32, #tpu.memory_space<hbm>>) target_semaphore(%run_scoped3A_66 : memref<!tpu.dma_semaphore, #tpu.memory_space<semaphore_mem>>)
      %dma_wait3A_71 = tpu.memref_slice %arg8[%run_scoped3A_29, %mul3A_2] : memref<11x2048xf32, #tpu.memory_space<hbm>> -> memref<1x64xf32, #tpu.memory_space<hbm>>
      %dma_wait3A_72 = tpu.memref_squeeze %dma_wait3A_71 : memref<1x64xf32, #tpu.memory_space<hbm>> -> memref<64xf32, #tpu.memory_space<hbm>>
      %dma_wait3A_73 = tpu.memref_slice %arg8[%run_scoped3A_29, %mul3A_2] : memref<11x2048xf32, #tpu.memory_space<hbm>> -> memref<1x64xf32, #tpu.memory_space<hbm>>
      %dma_wait3A_74 = tpu.memref_squeeze %dma_wait3A_73 : memref<1x64xf32, #tpu.memory_space<hbm>> -> memref<64xf32, #tpu.memory_space<hbm>>
      tpu.wait_dma2 semaphore(%run_scoped3A_66 : memref<!tpu.dma_semaphore, #tpu.memory_space<semaphore_mem>>) src(%arg10 : memref<64xf32, #tpu.memory_space<vmem>>) dst(%dma_wait3A_74 : memref<64xf32, #tpu.memory_space<hbm>>)
      tpu.yield
    }) : () -> ()
    %run_scoped3A_30 = arith.constant 5 : i32
    "tpu.region"() ({
      %run_scoped3A_66 = tpu.sem_alloc : memref<!tpu.dma_semaphore, #tpu.memory_space<semaphore_mem>>
      %dma_start3A_67 = tpu.memref_slice %arg2[%run_scoped3A_30, %mul3A_2] : memref<11x2048xi32, #tpu.memory_space<hbm>> -> memref<1x64xi32, #tpu.memory_space<hbm>>
      %dma_start3A_68 = tpu.memref_squeeze %dma_start3A_67 : memref<1x64xi32, #tpu.memory_space<hbm>> -> memref<64xi32, #tpu.memory_space<hbm>>
      %dma_start3A_69 = tpu.memref_slice %arg2[%run_scoped3A_30, %mul3A_2] : memref<11x2048xi32, #tpu.memory_space<hbm>> -> memref<1x64xi32, #tpu.memory_space<hbm>>
      %dma_start3A_70 = tpu.memref_squeeze %dma_start3A_69 : memref<1x64xi32, #tpu.memory_space<hbm>> -> memref<64xi32, #tpu.memory_space<hbm>>
      tpu.enqueue_dma source(%dma_start3A_70 : memref<64xi32, #tpu.memory_space<hbm>>) target(%arg9 : memref<64xi32, #tpu.memory_space<vmem>>) target_semaphore(%run_scoped3A_66 : memref<!tpu.dma_semaphore, #tpu.memory_space<semaphore_mem>>)
      %dma_wait3A_71 = tpu.memref_slice %arg2[%run_scoped3A_30, %mul3A_2] : memref<11x2048xi32, #tpu.memory_space<hbm>> -> memref<1x64xi32, #tpu.memory_space<hbm>>
      %dma_wait3A_72 = tpu.memref_squeeze %dma_wait3A_71 : memref<1x64xi32, #tpu.memory_space<hbm>> -> memref<64xi32, #tpu.memory_space<hbm>>
      %dma_wait3A_73 = tpu.memref_slice %arg2[%run_scoped3A_30, %mul3A_2] : memref<11x2048xi32, #tpu.memory_space<hbm>> -> memref<1x64xi32, #tpu.memory_space<hbm>>
      %dma_wait3A_74 = tpu.memref_squeeze %dma_wait3A_73 : memref<1x64xi32, #tpu.memory_space<hbm>> -> memref<64xi32, #tpu.memory_space<hbm>>
      tpu.wait_dma2 semaphore(%run_scoped3A_66 : memref<!tpu.dma_semaphore, #tpu.memory_space<semaphore_mem>>) src(%dma_wait3A_74 : memref<64xi32, #tpu.memory_space<hbm>>) dst(%arg9 : memref<64xi32, #tpu.memory_space<vmem>>)
      tpu.yield
    }) : () -> ()
    %dma_start3A_31 = arith.constant 0 : i32
    %dma_start3A_32 = tpu.memref_slice %arg6[%dma_start3A_31] : memref<1117696xf32, #tpu.memory_space<hbm>> -> memref<1117696xf32, #tpu.memory_space<hbm>>
    tpu.enqueue_indirect_dma source(%dma_start3A_32 : memref<1117696xf32, #tpu.memory_space<hbm>>) target(%arg10 : memref<64xf32, #tpu.memory_space<vmem>>) offsets(%arg9 : memref<64xi32, #tpu.memory_space<vmem>>) semaphore(%arg11 : memref<!tpu.dma_semaphore, #tpu.memory_space<semaphore_mem>>)
    %dma_wait3A_33 = arith.constant 0 : i32
    %dma_wait3A_34 = tpu.memref_slice %arg6[%dma_wait3A_33] : memref<1117696xf32, #tpu.memory_space<hbm>> -> memref<1117696xf32, #tpu.memory_space<hbm>>
    tpu.wait_indirect_dma semaphore(%arg11 : memref<!tpu.dma_semaphore, #tpu.memory_space<semaphore_mem>>) src(%dma_wait3A_34 : memref<1117696xf32, #tpu.memory_space<hbm>>) dst(%arg10 : memref<64xf32, #tpu.memory_space<vmem>>)
    %run_scoped3A_35 = arith.constant 5 : i32
    "tpu.region"() ({
      %run_scoped3A_66 = tpu.sem_alloc : memref<!tpu.dma_semaphore, #tpu.memory_space<semaphore_mem>>
      %dma_start3A_67 = tpu.memref_slice %arg8[%run_scoped3A_35, %mul3A_2] : memref<11x2048xf32, #tpu.memory_space<hbm>> -> memref<1x64xf32, #tpu.memory_space<hbm>>
      %dma_start3A_68 = tpu.memref_squeeze %dma_start3A_67 : memref<1x64xf32, #tpu.memory_space<hbm>> -> memref<64xf32, #tpu.memory_space<hbm>>
      %dma_start3A_69 = tpu.memref_slice %arg8[%run_scoped3A_35, %mul3A_2] : memref<11x2048xf32, #tpu.memory_space<hbm>> -> memref<1x64xf32, #tpu.memory_space<hbm>>
      %dma_start3A_70 = tpu.memref_squeeze %dma_start3A_69 : memref<1x64xf32, #tpu.memory_space<hbm>> -> memref<64xf32, #tpu.memory_space<hbm>>
      tpu.enqueue_dma source(%arg10 : memref<64xf32, #tpu.memory_space<vmem>>) target(%dma_start3A_70 : memref<64xf32, #tpu.memory_space<hbm>>) target_semaphore(%run_scoped3A_66 : memref<!tpu.dma_semaphore, #tpu.memory_space<semaphore_mem>>)
      %dma_wait3A_71 = tpu.memref_slice %arg8[%run_scoped3A_35, %mul3A_2] : memref<11x2048xf32, #tpu.memory_space<hbm>> -> memref<1x64xf32, #tpu.memory_space<hbm>>
      %dma_wait3A_72 = tpu.memref_squeeze %dma_wait3A_71 : memref<1x64xf32, #tpu.memory_space<hbm>> -> memref<64xf32, #tpu.memory_space<hbm>>
      %dma_wait3A_73 = tpu.memref_slice %arg8[%run_scoped3A_35, %mul3A_2] : memref<11x2048xf32, #tpu.memory_space<hbm>> -> memref<1x64xf32, #tpu.memory_space<hbm>>
      %dma_wait3A_74 = tpu.memref_squeeze %dma_wait3A_73 : memref<1x64xf32, #tpu.memory_space<hbm>> -> memref<64xf32, #tpu.memory_space<hbm>>
      tpu.wait_dma2 semaphore(%run_scoped3A_66 : memref<!tpu.dma_semaphore, #tpu.memory_space<semaphore_mem>>) src(%arg10 : memref<64xf32, #tpu.memory_space<vmem>>) dst(%dma_wait3A_74 : memref<64xf32, #tpu.memory_space<hbm>>)
      tpu.yield
    }) : () -> ()
    %run_scoped3A_36 = arith.constant 6 : i32
    "tpu.region"() ({
      %run_scoped3A_66 = tpu.sem_alloc : memref<!tpu.dma_semaphore, #tpu.memory_space<semaphore_mem>>
      %dma_start3A_67 = tpu.memref_slice %arg2[%run_scoped3A_36, %mul3A_2] : memref<11x2048xi32, #tpu.memory_space<hbm>> -> memref<1x64xi32, #tpu.memory_space<hbm>>
      %dma_start3A_68 = tpu.memref_squeeze %dma_start3A_67 : memref<1x64xi32, #tpu.memory_space<hbm>> -> memref<64xi32, #tpu.memory_space<hbm>>
      %dma_start3A_69 = tpu.memref_slice %arg2[%run_scoped3A_36, %mul3A_2] : memref<11x2048xi32, #tpu.memory_space<hbm>> -> memref<1x64xi32, #tpu.memory_space<hbm>>
      %dma_start3A_70 = tpu.memref_squeeze %dma_start3A_69 : memref<1x64xi32, #tpu.memory_space<hbm>> -> memref<64xi32, #tpu.memory_space<hbm>>
      tpu.enqueue_dma source(%dma_start3A_70 : memref<64xi32, #tpu.memory_space<hbm>>) target(%arg9 : memref<64xi32, #tpu.memory_space<vmem>>) target_semaphore(%run_scoped3A_66 : memref<!tpu.dma_semaphore, #tpu.memory_space<semaphore_mem>>)
      %dma_wait3A_71 = tpu.memref_slice %arg2[%run_scoped3A_36, %mul3A_2] : memref<11x2048xi32, #tpu.memory_space<hbm>> -> memref<1x64xi32, #tpu.memory_space<hbm>>
      %dma_wait3A_72 = tpu.memref_squeeze %dma_wait3A_71 : memref<1x64xi32, #tpu.memory_space<hbm>> -> memref<64xi32, #tpu.memory_space<hbm>>
      %dma_wait3A_73 = tpu.memref_slice %arg2[%run_scoped3A_36, %mul3A_2] : memref<11x2048xi32, #tpu.memory_space<hbm>> -> memref<1x64xi32, #tpu.memory_space<hbm>>
      %dma_wait3A_74 = tpu.memref_squeeze %dma_wait3A_73 : memref<1x64xi32, #tpu.memory_space<hbm>> -> memref<64xi32, #tpu.memory_space<hbm>>
      tpu.wait_dma2 semaphore(%run_scoped3A_66 : memref<!tpu.dma_semaphore, #tpu.memory_space<semaphore_mem>>) src(%dma_wait3A_74 : memref<64xi32, #tpu.memory_space<hbm>>) dst(%arg9 : memref<64xi32, #tpu.memory_space<vmem>>)
      tpu.yield
    }) : () -> ()
    %dma_start3A_37 = arith.constant 0 : i32
    %dma_start3A_38 = tpu.memref_slice %arg6[%dma_start3A_37] : memref<1117696xf32, #tpu.memory_space<hbm>> -> memref<1117696xf32, #tpu.memory_space<hbm>>
    tpu.enqueue_indirect_dma source(%dma_start3A_38 : memref<1117696xf32, #tpu.memory_space<hbm>>) target(%arg10 : memref<64xf32, #tpu.memory_space<vmem>>) offsets(%arg9 : memref<64xi32, #tpu.memory_space<vmem>>) semaphore(%arg11 : memref<!tpu.dma_semaphore, #tpu.memory_space<semaphore_mem>>)
    %dma_wait3A_39 = arith.constant 0 : i32
    %dma_wait3A_40 = tpu.memref_slice %arg6[%dma_wait3A_39] : memref<1117696xf32, #tpu.memory_space<hbm>> -> memref<1117696xf32, #tpu.memory_space<hbm>>
    tpu.wait_indirect_dma semaphore(%arg11 : memref<!tpu.dma_semaphore, #tpu.memory_space<semaphore_mem>>) src(%dma_wait3A_40 : memref<1117696xf32, #tpu.memory_space<hbm>>) dst(%arg10 : memref<64xf32, #tpu.memory_space<vmem>>)
    %run_scoped3A_41 = arith.constant 6 : i32
    "tpu.region"() ({
      %run_scoped3A_66 = tpu.sem_alloc : memref<!tpu.dma_semaphore, #tpu.memory_space<semaphore_mem>>
      %dma_start3A_67 = tpu.memref_slice %arg8[%run_scoped3A_41, %mul3A_2] : memref<11x2048xf32, #tpu.memory_space<hbm>> -> memref<1x64xf32, #tpu.memory_space<hbm>>
      %dma_start3A_68 = tpu.memref_squeeze %dma_start3A_67 : memref<1x64xf32, #tpu.memory_space<hbm>> -> memref<64xf32, #tpu.memory_space<hbm>>
      %dma_start3A_69 = tpu.memref_slice %arg8[%run_scoped3A_41, %mul3A_2] : memref<11x2048xf32, #tpu.memory_space<hbm>> -> memref<1x64xf32, #tpu.memory_space<hbm>>
      %dma_start3A_70 = tpu.memref_squeeze %dma_start3A_69 : memref<1x64xf32, #tpu.memory_space<hbm>> -> memref<64xf32, #tpu.memory_space<hbm>>
      tpu.enqueue_dma source(%arg10 : memref<64xf32, #tpu.memory_space<vmem>>) target(%dma_start3A_70 : memref<64xf32, #tpu.memory_space<hbm>>) target_semaphore(%run_scoped3A_66 : memref<!tpu.dma_semaphore, #tpu.memory_space<semaphore_mem>>)
      %dma_wait3A_71 = tpu.memref_slice %arg8[%run_scoped3A_41, %mul3A_2] : memref<11x2048xf32, #tpu.memory_space<hbm>> -> memref<1x64xf32, #tpu.memory_space<hbm>>
      %dma_wait3A_72 = tpu.memref_squeeze %dma_wait3A_71 : memref<1x64xf32, #tpu.memory_space<hbm>> -> memref<64xf32, #tpu.memory_space<hbm>>
      %dma_wait3A_73 = tpu.memref_slice %arg8[%run_scoped3A_41, %mul3A_2] : memref<11x2048xf32, #tpu.memory_space<hbm>> -> memref<1x64xf32, #tpu.memory_space<hbm>>
      %dma_wait3A_74 = tpu.memref_squeeze %dma_wait3A_73 : memref<1x64xf32, #tpu.memory_space<hbm>> -> memref<64xf32, #tpu.memory_space<hbm>>
      tpu.wait_dma2 semaphore(%run_scoped3A_66 : memref<!tpu.dma_semaphore, #tpu.memory_space<semaphore_mem>>) src(%arg10 : memref<64xf32, #tpu.memory_space<vmem>>) dst(%dma_wait3A_74 : memref<64xf32, #tpu.memory_space<hbm>>)
      tpu.yield
    }) : () -> ()
    %run_scoped3A_42 = arith.constant 7 : i32
    "tpu.region"() ({
      %run_scoped3A_66 = tpu.sem_alloc : memref<!tpu.dma_semaphore, #tpu.memory_space<semaphore_mem>>
      %dma_start3A_67 = tpu.memref_slice %arg2[%run_scoped3A_42, %mul3A_2] : memref<11x2048xi32, #tpu.memory_space<hbm>> -> memref<1x64xi32, #tpu.memory_space<hbm>>
      %dma_start3A_68 = tpu.memref_squeeze %dma_start3A_67 : memref<1x64xi32, #tpu.memory_space<hbm>> -> memref<64xi32, #tpu.memory_space<hbm>>
      %dma_start3A_69 = tpu.memref_slice %arg2[%run_scoped3A_42, %mul3A_2] : memref<11x2048xi32, #tpu.memory_space<hbm>> -> memref<1x64xi32, #tpu.memory_space<hbm>>
      %dma_start3A_70 = tpu.memref_squeeze %dma_start3A_69 : memref<1x64xi32, #tpu.memory_space<hbm>> -> memref<64xi32, #tpu.memory_space<hbm>>
      tpu.enqueue_dma source(%dma_start3A_70 : memref<64xi32, #tpu.memory_space<hbm>>) target(%arg9 : memref<64xi32, #tpu.memory_space<vmem>>) target_semaphore(%run_scoped3A_66 : memref<!tpu.dma_semaphore, #tpu.memory_space<semaphore_mem>>)
      %dma_wait3A_71 = tpu.memref_slice %arg2[%run_scoped3A_42, %mul3A_2] : memref<11x2048xi32, #tpu.memory_space<hbm>> -> memref<1x64xi32, #tpu.memory_space<hbm>>
      %dma_wait3A_72 = tpu.memref_squeeze %dma_wait3A_71 : memref<1x64xi32, #tpu.memory_space<hbm>> -> memref<64xi32, #tpu.memory_space<hbm>>
      %dma_wait3A_73 = tpu.memref_slice %arg2[%run_scoped3A_42, %mul3A_2] : memref<11x2048xi32, #tpu.memory_space<hbm>> -> memref<1x64xi32, #tpu.memory_space<hbm>>
      %dma_wait3A_74 = tpu.memref_squeeze %dma_wait3A_73 : memref<1x64xi32, #tpu.memory_space<hbm>> -> memref<64xi32, #tpu.memory_space<hbm>>
      tpu.wait_dma2 semaphore(%run_scoped3A_66 : memref<!tpu.dma_semaphore, #tpu.memory_space<semaphore_mem>>) src(%dma_wait3A_74 : memref<64xi32, #tpu.memory_space<hbm>>) dst(%arg9 : memref<64xi32, #tpu.memory_space<vmem>>)
      tpu.yield
    }) : () -> ()
    %dma_start3A_43 = arith.constant 0 : i32
    %dma_start3A_44 = tpu.memref_slice %arg7[%dma_start3A_43] : memref<34928xf32, #tpu.memory_space<hbm>> -> memref<34928xf32, #tpu.memory_space<hbm>>
    tpu.enqueue_indirect_dma source(%dma_start3A_44 : memref<34928xf32, #tpu.memory_space<hbm>>) target(%arg10 : memref<64xf32, #tpu.memory_space<vmem>>) offsets(%arg9 : memref<64xi32, #tpu.memory_space<vmem>>) semaphore(%arg11 : memref<!tpu.dma_semaphore, #tpu.memory_space<semaphore_mem>>)
    %dma_wait3A_45 = arith.constant 0 : i32
    %dma_wait3A_46 = tpu.memref_slice %arg7[%dma_wait3A_45] : memref<34928xf32, #tpu.memory_space<hbm>> -> memref<34928xf32, #tpu.memory_space<hbm>>
    tpu.wait_indirect_dma semaphore(%arg11 : memref<!tpu.dma_semaphore, #tpu.memory_space<semaphore_mem>>) src(%dma_wait3A_46 : memref<34928xf32, #tpu.memory_space<hbm>>) dst(%arg10 : memref<64xf32, #tpu.memory_space<vmem>>)
    %run_scoped3A_47 = arith.constant 7 : i32
    "tpu.region"() ({
      %run_scoped3A_66 = tpu.sem_alloc : memref<!tpu.dma_semaphore, #tpu.memory_space<semaphore_mem>>
      %dma_start3A_67 = tpu.memref_slice %arg8[%run_scoped3A_47, %mul3A_2] : memref<11x2048xf32, #tpu.memory_space<hbm>> -> memref<1x64xf32, #tpu.memory_space<hbm>>
      %dma_start3A_68 = tpu.memref_squeeze %dma_start3A_67 : memref<1x64xf32, #tpu.memory_space<hbm>> -> memref<64xf32, #tpu.memory_space<hbm>>
      %dma_start3A_69 = tpu.memref_slice %arg8[%run_scoped3A_47, %mul3A_2] : memref<11x2048xf32, #tpu.memory_space<hbm>> -> memref<1x64xf32, #tpu.memory_space<hbm>>
      %dma_start3A_70 = tpu.memref_squeeze %dma_start3A_69 : memref<1x64xf32, #tpu.memory_space<hbm>> -> memref<64xf32, #tpu.memory_space<hbm>>
      tpu.enqueue_dma source(%arg10 : memref<64xf32, #tpu.memory_space<vmem>>) target(%dma_start3A_70 : memref<64xf32, #tpu.memory_space<hbm>>) target_semaphore(%run_scoped3A_66 : memref<!tpu.dma_semaphore, #tpu.memory_space<semaphore_mem>>)
      %dma_wait3A_71 = tpu.memref_slice %arg8[%run_scoped3A_47, %mul3A_2] : memref<11x2048xf32, #tpu.memory_space<hbm>> -> memref<1x64xf32, #tpu.memory_space<hbm>>
      %dma_wait3A_72 = tpu.memref_squeeze %dma_wait3A_71 : memref<1x64xf32, #tpu.memory_space<hbm>> -> memref<64xf32, #tpu.memory_space<hbm>>
      %dma_wait3A_73 = tpu.memref_slice %arg8[%run_scoped3A_47, %mul3A_2] : memref<11x2048xf32, #tpu.memory_space<hbm>> -> memref<1x64xf32, #tpu.memory_space<hbm>>
      %dma_wait3A_74 = tpu.memref_squeeze %dma_wait3A_73 : memref<1x64xf32, #tpu.memory_space<hbm>> -> memref<64xf32, #tpu.memory_space<hbm>>
      tpu.wait_dma2 semaphore(%run_scoped3A_66 : memref<!tpu.dma_semaphore, #tpu.memory_space<semaphore_mem>>) src(%arg10 : memref<64xf32, #tpu.memory_space<vmem>>) dst(%dma_wait3A_74 : memref<64xf32, #tpu.memory_space<hbm>>)
      tpu.yield
    }) : () -> ()
    %run_scoped3A_48 = arith.constant 8 : i32
    "tpu.region"() ({
      %run_scoped3A_66 = tpu.sem_alloc : memref<!tpu.dma_semaphore, #tpu.memory_space<semaphore_mem>>
      %dma_start3A_67 = tpu.memref_slice %arg2[%run_scoped3A_48, %mul3A_2] : memref<11x2048xi32, #tpu.memory_space<hbm>> -> memref<1x64xi32, #tpu.memory_space<hbm>>
      %dma_start3A_68 = tpu.memref_squeeze %dma_start3A_67 : memref<1x64xi32, #tpu.memory_space<hbm>> -> memref<64xi32, #tpu.memory_space<hbm>>
      %dma_start3A_69 = tpu.memref_slice %arg2[%run_scoped3A_48, %mul3A_2] : memref<11x2048xi32, #tpu.memory_space<hbm>> -> memref<1x64xi32, #tpu.memory_space<hbm>>
      %dma_start3A_70 = tpu.memref_squeeze %dma_start3A_69 : memref<1x64xi32, #tpu.memory_space<hbm>> -> memref<64xi32, #tpu.memory_space<hbm>>
      tpu.enqueue_dma source(%dma_start3A_70 : memref<64xi32, #tpu.memory_space<hbm>>) target(%arg9 : memref<64xi32, #tpu.memory_space<vmem>>) target_semaphore(%run_scoped3A_66 : memref<!tpu.dma_semaphore, #tpu.memory_space<semaphore_mem>>)
      %dma_wait3A_71 = tpu.memref_slice %arg2[%run_scoped3A_48, %mul3A_2] : memref<11x2048xi32, #tpu.memory_space<hbm>> -> memref<1x64xi32, #tpu.memory_space<hbm>>
      %dma_wait3A_72 = tpu.memref_squeeze %dma_wait3A_71 : memref<1x64xi32, #tpu.memory_space<hbm>> -> memref<64xi32, #tpu.memory_space<hbm>>
      %dma_wait3A_73 = tpu.memref_slice %arg2[%run_scoped3A_48, %mul3A_2] : memref<11x2048xi32, #tpu.memory_space<hbm>> -> memref<1x64xi32, #tpu.memory_space<hbm>>
      %dma_wait3A_74 = tpu.memref_squeeze %dma_wait3A_73 : memref<1x64xi32, #tpu.memory_space<hbm>> -> memref<64xi32, #tpu.memory_space<hbm>>
      tpu.wait_dma2 semaphore(%run_scoped3A_66 : memref<!tpu.dma_semaphore, #tpu.memory_space<semaphore_mem>>) src(%dma_wait3A_74 : memref<64xi32, #tpu.memory_space<hbm>>) dst(%arg9 : memref<64xi32, #tpu.memory_space<vmem>>)
      tpu.yield
    }) : () -> ()
    %dma_start3A_49 = arith.constant 0 : i32
    %dma_start3A_50 = tpu.memref_slice %arg7[%dma_start3A_49] : memref<34928xf32, #tpu.memory_space<hbm>> -> memref<34928xf32, #tpu.memory_space<hbm>>
    tpu.enqueue_indirect_dma source(%dma_start3A_50 : memref<34928xf32, #tpu.memory_space<hbm>>) target(%arg10 : memref<64xf32, #tpu.memory_space<vmem>>) offsets(%arg9 : memref<64xi32, #tpu.memory_space<vmem>>) semaphore(%arg11 : memref<!tpu.dma_semaphore, #tpu.memory_space<semaphore_mem>>)
    %dma_wait3A_51 = arith.constant 0 : i32
    %dma_wait3A_52 = tpu.memref_slice %arg7[%dma_wait3A_51] : memref<34928xf32, #tpu.memory_space<hbm>> -> memref<34928xf32, #tpu.memory_space<hbm>>
    tpu.wait_indirect_dma semaphore(%arg11 : memref<!tpu.dma_semaphore, #tpu.memory_space<semaphore_mem>>) src(%dma_wait3A_52 : memref<34928xf32, #tpu.memory_space<hbm>>) dst(%arg10 : memref<64xf32, #tpu.memory_space<vmem>>)
    %run_scoped3A_53 = arith.constant 8 : i32
    "tpu.region"() ({
      %run_scoped3A_66 = tpu.sem_alloc : memref<!tpu.dma_semaphore, #tpu.memory_space<semaphore_mem>>
      %dma_start3A_67 = tpu.memref_slice %arg8[%run_scoped3A_53, %mul3A_2] : memref<11x2048xf32, #tpu.memory_space<hbm>> -> memref<1x64xf32, #tpu.memory_space<hbm>>
      %dma_start3A_68 = tpu.memref_squeeze %dma_start3A_67 : memref<1x64xf32, #tpu.memory_space<hbm>> -> memref<64xf32, #tpu.memory_space<hbm>>
      %dma_start3A_69 = tpu.memref_slice %arg8[%run_scoped3A_53, %mul3A_2] : memref<11x2048xf32, #tpu.memory_space<hbm>> -> memref<1x64xf32, #tpu.memory_space<hbm>>
      %dma_start3A_70 = tpu.memref_squeeze %dma_start3A_69 : memref<1x64xf32, #tpu.memory_space<hbm>> -> memref<64xf32, #tpu.memory_space<hbm>>
      tpu.enqueue_dma source(%arg10 : memref<64xf32, #tpu.memory_space<vmem>>) target(%dma_start3A_70 : memref<64xf32, #tpu.memory_space<hbm>>) target_semaphore(%run_scoped3A_66 : memref<!tpu.dma_semaphore, #tpu.memory_space<semaphore_mem>>)
      %dma_wait3A_71 = tpu.memref_slice %arg8[%run_scoped3A_53, %mul3A_2] : memref<11x2048xf32, #tpu.memory_space<hbm>> -> memref<1x64xf32, #tpu.memory_space<hbm>>
      %dma_wait3A_72 = tpu.memref_squeeze %dma_wait3A_71 : memref<1x64xf32, #tpu.memory_space<hbm>> -> memref<64xf32, #tpu.memory_space<hbm>>
      %dma_wait3A_73 = tpu.memref_slice %arg8[%run_scoped3A_53, %mul3A_2] : memref<11x2048xf32, #tpu.memory_space<hbm>> -> memref<1x64xf32, #tpu.memory_space<hbm>>
      %dma_wait3A_74 = tpu.memref_squeeze %dma_wait3A_73 : memref<1x64xf32, #tpu.memory_space<hbm>> -> memref<64xf32, #tpu.memory_space<hbm>>
      tpu.wait_dma2 semaphore(%run_scoped3A_66 : memref<!tpu.dma_semaphore, #tpu.memory_space<semaphore_mem>>) src(%arg10 : memref<64xf32, #tpu.memory_space<vmem>>) dst(%dma_wait3A_74 : memref<64xf32, #tpu.memory_space<hbm>>)
      tpu.yield
    }) : () -> ()
    %run_scoped3A_54 = arith.constant 9 : i32
    "tpu.region"() ({
      %run_scoped3A_66 = tpu.sem_alloc : memref<!tpu.dma_semaphore, #tpu.memory_space<semaphore_mem>>
      %dma_start3A_67 = tpu.memref_slice %arg2[%run_scoped3A_54, %mul3A_2] : memref<11x2048xi32, #tpu.memory_space<hbm>> -> memref<1x64xi32, #tpu.memory_space<hbm>>
      %dma_start3A_68 = tpu.memref_squeeze %dma_start3A_67 : memref<1x64xi32, #tpu.memory_space<hbm>> -> memref<64xi32, #tpu.memory_space<hbm>>
      %dma_start3A_69 = tpu.memref_slice %arg2[%run_scoped3A_54, %mul3A_2] : memref<11x2048xi32, #tpu.memory_space<hbm>> -> memref<1x64xi32, #tpu.memory_space<hbm>>
      %dma_start3A_70 = tpu.memref_squeeze %dma_start3A_69 : memref<1x64xi32, #tpu.memory_space<hbm>> -> memref<64xi32, #tpu.memory_space<hbm>>
      tpu.enqueue_dma source(%dma_start3A_70 : memref<64xi32, #tpu.memory_space<hbm>>) target(%arg9 : memref<64xi32, #tpu.memory_space<vmem>>) target_semaphore(%run_scoped3A_66 : memref<!tpu.dma_semaphore, #tpu.memory_space<semaphore_mem>>)
      %dma_wait3A_71 = tpu.memref_slice %arg2[%run_scoped3A_54, %mul3A_2] : memref<11x2048xi32, #tpu.memory_space<hbm>> -> memref<1x64xi32, #tpu.memory_space<hbm>>
      %dma_wait3A_72 = tpu.memref_squeeze %dma_wait3A_71 : memref<1x64xi32, #tpu.memory_space<hbm>> -> memref<64xi32, #tpu.memory_space<hbm>>
      %dma_wait3A_73 = tpu.memref_slice %arg2[%run_scoped3A_54, %mul3A_2] : memref<11x2048xi32, #tpu.memory_space<hbm>> -> memref<1x64xi32, #tpu.memory_space<hbm>>
      %dma_wait3A_74 = tpu.memref_squeeze %dma_wait3A_73 : memref<1x64xi32, #tpu.memory_space<hbm>> -> memref<64xi32, #tpu.memory_space<hbm>>
      tpu.wait_dma2 semaphore(%run_scoped3A_66 : memref<!tpu.dma_semaphore, #tpu.memory_space<semaphore_mem>>) src(%dma_wait3A_74 : memref<64xi32, #tpu.memory_space<hbm>>) dst(%arg9 : memref<64xi32, #tpu.memory_space<vmem>>)
      tpu.yield
    }) : () -> ()
    %dma_start3A_55 = arith.constant 0 : i32
    %dma_start3A_56 = tpu.memref_slice %arg7[%dma_start3A_55] : memref<34928xf32, #tpu.memory_space<hbm>> -> memref<34928xf32, #tpu.memory_space<hbm>>
    tpu.enqueue_indirect_dma source(%dma_start3A_56 : memref<34928xf32, #tpu.memory_space<hbm>>) target(%arg10 : memref<64xf32, #tpu.memory_space<vmem>>) offsets(%arg9 : memref<64xi32, #tpu.memory_space<vmem>>) semaphore(%arg11 : memref<!tpu.dma_semaphore, #tpu.memory_space<semaphore_mem>>)
    %dma_wait3A_57 = arith.constant 0 : i32
    %dma_wait3A_58 = tpu.memref_slice %arg7[%dma_wait3A_57] : memref<34928xf32, #tpu.memory_space<hbm>> -> memref<34928xf32, #tpu.memory_space<hbm>>
    tpu.wait_indirect_dma semaphore(%arg11 : memref<!tpu.dma_semaphore, #tpu.memory_space<semaphore_mem>>) src(%dma_wait3A_58 : memref<34928xf32, #tpu.memory_space<hbm>>) dst(%arg10 : memref<64xf32, #tpu.memory_space<vmem>>)
    %run_scoped3A_59 = arith.constant 9 : i32
    "tpu.region"() ({
      %run_scoped3A_66 = tpu.sem_alloc : memref<!tpu.dma_semaphore, #tpu.memory_space<semaphore_mem>>
      %dma_start3A_67 = tpu.memref_slice %arg8[%run_scoped3A_59, %mul3A_2] : memref<11x2048xf32, #tpu.memory_space<hbm>> -> memref<1x64xf32, #tpu.memory_space<hbm>>
      %dma_start3A_68 = tpu.memref_squeeze %dma_start3A_67 : memref<1x64xf32, #tpu.memory_space<hbm>> -> memref<64xf32, #tpu.memory_space<hbm>>
      %dma_start3A_69 = tpu.memref_slice %arg8[%run_scoped3A_59, %mul3A_2] : memref<11x2048xf32, #tpu.memory_space<hbm>> -> memref<1x64xf32, #tpu.memory_space<hbm>>
      %dma_start3A_70 = tpu.memref_squeeze %dma_start3A_69 : memref<1x64xf32, #tpu.memory_space<hbm>> -> memref<64xf32, #tpu.memory_space<hbm>>
      tpu.enqueue_dma source(%arg10 : memref<64xf32, #tpu.memory_space<vmem>>) target(%dma_start3A_70 : memref<64xf32, #tpu.memory_space<hbm>>) target_semaphore(%run_scoped3A_66 : memref<!tpu.dma_semaphore, #tpu.memory_space<semaphore_mem>>)
      %dma_wait3A_71 = tpu.memref_slice %arg8[%run_scoped3A_59, %mul3A_2] : memref<11x2048xf32, #tpu.memory_space<hbm>> -> memref<1x64xf32, #tpu.memory_space<hbm>>
      %dma_wait3A_72 = tpu.memref_squeeze %dma_wait3A_71 : memref<1x64xf32, #tpu.memory_space<hbm>> -> memref<64xf32, #tpu.memory_space<hbm>>
      %dma_wait3A_73 = tpu.memref_slice %arg8[%run_scoped3A_59, %mul3A_2] : memref<11x2048xf32, #tpu.memory_space<hbm>> -> memref<1x64xf32, #tpu.memory_space<hbm>>
      %dma_wait3A_74 = tpu.memref_squeeze %dma_wait3A_73 : memref<1x64xf32, #tpu.memory_space<hbm>> -> memref<64xf32, #tpu.memory_space<hbm>>
      tpu.wait_dma2 semaphore(%run_scoped3A_66 : memref<!tpu.dma_semaphore, #tpu.memory_space<semaphore_mem>>) src(%arg10 : memref<64xf32, #tpu.memory_space<vmem>>) dst(%dma_wait3A_74 : memref<64xf32, #tpu.memory_space<hbm>>)
      tpu.yield
    }) : () -> ()
    %run_scoped3A_60 = arith.constant 10 : i32
    "tpu.region"() ({
      %run_scoped3A_66 = tpu.sem_alloc : memref<!tpu.dma_semaphore, #tpu.memory_space<semaphore_mem>>
      %dma_start3A_67 = tpu.memref_slice %arg2[%run_scoped3A_60, %mul3A_2] : memref<11x2048xi32, #tpu.memory_space<hbm>> -> memref<1x64xi32, #tpu.memory_space<hbm>>
      %dma_start3A_68 = tpu.memref_squeeze %dma_start3A_67 : memref<1x64xi32, #tpu.memory_space<hbm>> -> memref<64xi32, #tpu.memory_space<hbm>>
      %dma_start3A_69 = tpu.memref_slice %arg2[%run_scoped3A_60, %mul3A_2] : memref<11x2048xi32, #tpu.memory_space<hbm>> -> memref<1x64xi32, #tpu.memory_space<hbm>>
      %dma_start3A_70 = tpu.memref_squeeze %dma_start3A_69 : memref<1x64xi32, #tpu.memory_space<hbm>> -> memref<64xi32, #tpu.memory_space<hbm>>
      tpu.enqueue_dma source(%dma_start3A_70 : memref<64xi32, #tpu.memory_space<hbm>>) target(%arg9 : memref<64xi32, #tpu.memory_space<vmem>>) target_semaphore(%run_scoped3A_66 : memref<!tpu.dma_semaphore, #tpu.memory_space<semaphore_mem>>)
      %dma_wait3A_71 = tpu.memref_slice %arg2[%run_scoped3A_60, %mul3A_2] : memref<11x2048xi32, #tpu.memory_space<hbm>> -> memref<1x64xi32, #tpu.memory_space<hbm>>
      %dma_wait3A_72 = tpu.memref_squeeze %dma_wait3A_71 : memref<1x64xi32, #tpu.memory_space<hbm>> -> memref<64xi32, #tpu.memory_space<hbm>>
      %dma_wait3A_73 = tpu.memref_slice %arg2[%run_scoped3A_60, %mul3A_2] : memref<11x2048xi32, #tpu.memory_space<hbm>> -> memref<1x64xi32, #tpu.memory_space<hbm>>
      %dma_wait3A_74 = tpu.memref_squeeze %dma_wait3A_73 : memref<1x64xi32, #tpu.memory_space<hbm>> -> memref<64xi32, #tpu.memory_space<hbm>>
      tpu.wait_dma2 semaphore(%run_scoped3A_66 : memref<!tpu.dma_semaphore, #tpu.memory_space<semaphore_mem>>) src(%dma_wait3A_74 : memref<64xi32, #tpu.memory_space<hbm>>) dst(%arg9 : memref<64xi32, #tpu.memory_space<vmem>>)
      tpu.yield
    }) : () -> ()
    %dma_start3A_61 = arith.constant 0 : i32
    %dma_start3A_62 = tpu.memref_slice %arg7[%dma_start3A_61] : memref<34928xf32, #tpu.memory_space<hbm>> -> memref<34928xf32, #tpu.memory_space<hbm>>
    tpu.enqueue_indirect_dma source(%dma_start3A_62 : memref<34928xf32, #tpu.memory_space<hbm>>) target(%arg10 : memref<64xf32, #tpu.memory_space<vmem>>) offsets(%arg9 : memref<64xi32, #tpu.memory_space<vmem>>) semaphore(%arg11 : memref<!tpu.dma_semaphore, #tpu.memory_space<semaphore_mem>>)
    %dma_wait3A_63 = arith.constant 0 : i32
    %dma_wait3A_64 = tpu.memref_slice %arg7[%dma_wait3A_63] : memref<34928xf32, #tpu.memory_space<hbm>> -> memref<34928xf32, #tpu.memory_space<hbm>>
    tpu.wait_indirect_dma semaphore(%arg11 : memref<!tpu.dma_semaphore, #tpu.memory_space<semaphore_mem>>) src(%dma_wait3A_64 : memref<34928xf32, #tpu.memory_space<hbm>>) dst(%arg10 : memref<64xf32, #tpu.memory_space<vmem>>)
    %run_scoped3A_65 = arith.constant 10 : i32
    "tpu.region"() ({
      %run_scoped3A_66 = tpu.sem_alloc : memref<!tpu.dma_semaphore, #tpu.memory_space<semaphore_mem>>
      %dma_start3A_67 = tpu.memref_slice %arg8[%run_scoped3A_65, %mul3A_2] : memref<11x2048xf32, #tpu.memory_space<hbm>> -> memref<1x64xf32, #tpu.memory_space<hbm>>
      %dma_start3A_68 = tpu.memref_squeeze %dma_start3A_67 : memref<1x64xf32, #tpu.memory_space<hbm>> -> memref<64xf32, #tpu.memory_space<hbm>>
      %dma_start3A_69 = tpu.memref_slice %arg8[%run_scoped3A_65, %mul3A_2] : memref<11x2048xf32, #tpu.memory_space<hbm>> -> memref<1x64xf32, #tpu.memory_space<hbm>>
      %dma_start3A_70 = tpu.memref_squeeze %dma_start3A_69 : memref<1x64xf32, #tpu.memory_space<hbm>> -> memref<64xf32, #tpu.memory_space<hbm>>
      tpu.enqueue_dma source(%arg10 : memref<64xf32, #tpu.memory_space<vmem>>) target(%dma_start3A_70 : memref<64xf32, #tpu.memory_space<hbm>>) target_semaphore(%run_scoped3A_66 : memref<!tpu.dma_semaphore, #tpu.memory_space<semaphore_mem>>)
      %dma_wait3A_71 = tpu.memref_slice %arg8[%run_scoped3A_65, %mul3A_2] : memref<11x2048xf32, #tpu.memory_space<hbm>> -> memref<1x64xf32, #tpu.memory_space<hbm>>
      %dma_wait3A_72 = tpu.memref_squeeze %dma_wait3A_71 : memref<1x64xf32, #tpu.memory_space<hbm>> -> memref<64xf32, #tpu.memory_space<hbm>>
      %dma_wait3A_73 = tpu.memref_slice %arg8[%run_scoped3A_65, %mul3A_2] : memref<11x2048xf32, #tpu.memory_space<hbm>> -> memref<1x64xf32, #tpu.memory_space<hbm>>
      %dma_wait3A_74 = tpu.memref_squeeze %dma_wait3A_73 : memref<1x64xf32, #tpu.memory_space<hbm>> -> memref<64xf32, #tpu.memory_space<hbm>>
      tpu.wait_dma2 semaphore(%run_scoped3A_66 : memref<!tpu.dma_semaphore, #tpu.memory_space<semaphore_mem>>) src(%arg10 : memref<64xf32, #tpu.memory_space<vmem>>) dst(%dma_wait3A_74 : memref<64xf32, #tpu.memory_space<hbm>>)
      tpu.yield
    }) : () -> ()
    return
  }
}

module attributes {stable_mosaic.version = 14 : i64} {
  func.func @_lse_body(%arg0: i32, %arg1: memref<21x2048xf32, #tpu.memory_space<vmem>>, %arg2: memref<1x2048xf32, #tpu.memory_space<vmem>>, %arg3: memref<1x2048xf32, #tpu.memory_space<vmem>>) attributes {dimension_semantics = [#tpu.dimension_semantics<arbitrary>], iteration_bounds = array<i64: 137>, scalar_prefetch = 0 : i64, scratch_operands = 0 : i64, tpu.core_type = #tpu.core_type<tc>, window_params = [{transform_indices = @transform_0, window_bounds = array<i64: 21, 2048>}, {transform_indices = @transform_1, window_bounds = array<i64: 1, 2048>}, {transform_indices = @transform_2, window_bounds = array<i64: 1, 2048>}]} {
    %get3A = arith.constant 0 : index
    %get3A_0 = arith.constant 0 : index
    %get3A_1 = vector.load %arg1[%get3A, %get3A_0] : memref<21x2048xf32, #tpu.memory_space<vmem>>, vector<21x2048xf32>
    %reduce_max3A = arith.constant dense<0xFF800000> : vector<2048xf32>
    %reduce_max3A_2 = vector.multi_reduction <maximumf>, %get3A_1, %reduce_max3A [0] : vector<21x2048xf32> to vector<2048xf32>
    %broadcast_in_dim3A = vector.shape_cast %reduce_max3A_2 : vector<2048xf32> to vector<1x2048xf32>
    %sub3A = vector.broadcast %broadcast_in_dim3A : vector<1x2048xf32> to vector<21x2048xf32>
    %sub3A_3 = arith.subf %get3A_1, %sub3A : vector<21x2048xf32>
    %exp3A = math.exp %sub3A_3 : vector<21x2048xf32>
    %reduce_sum3A = arith.constant dense<0.000000e+00> : vector<2048xf32>
    %reduce_sum3A_4 = vector.multi_reduction <add>, %exp3A, %reduce_sum3A [0] : vector<21x2048xf32> to vector<2048xf32>
    %broadcast_in_dim3A_5 = vector.shape_cast %reduce_sum3A_4 : vector<2048xf32> to vector<1x2048xf32>
    %log3A = math.log %broadcast_in_dim3A_5 : vector<1x2048xf32>
    %add3A = arith.addf %broadcast_in_dim3A, %log3A : vector<1x2048xf32>
    %slice3A = vector.extract_strided_slice %get3A_1 {offsets = [0, 0], sizes = [1, 2048], strides = [1, 1]} : vector<21x2048xf32> to vector<1x2048xf32>
    %sub3A_6 = arith.subf %slice3A, %add3A : vector<1x2048xf32>
    %swap3A = arith.constant 0 : index
    %swap3A_7 = arith.constant 0 : index
    %swap3A_8 = vector.load %arg2[%swap3A, %swap3A_7] : memref<1x2048xf32, #tpu.memory_space<vmem>>, vector<1x2048xf32>
    tpu.vector_store %arg2[%swap3A, %swap3A_7], %sub3A_6 {strides = array<i32>} : memref<1x2048xf32, #tpu.memory_space<vmem>>, vector<1x2048xf32>,
    %swap3A_9 = arith.constant 0 : index
    %swap3A_10 = arith.constant 0 : index
    %swap3A_11 = vector.load %arg3[%swap3A_9, %swap3A_10] : memref<1x2048xf32, #tpu.memory_space<vmem>>, vector<1x2048xf32>
    tpu.vector_store %arg3[%swap3A_9, %swap3A_10], %add3A {strides = array<i32>} : memref<1x2048xf32, #tpu.memory_space<vmem>>, vector<1x2048xf32>,
    return
  }
  func.func @transform_0(%arg0: i32) -> (i32, i32) {
    %c0_i32 = arith.constant 0 : i32
    %c0_i32_0 = arith.constant 0 : i32
    return %c0_i32, %arg0 : i32, i32
  }
  func.func @transform_1(%arg0: i32) -> (i32, i32) {
    %c0_i32 = arith.constant 0 : i32
    %c0_i32_0 = arith.constant 0 : i32
    return %c0_i32, %arg0 : i32, i32
  }
  func.func @transform_2(%arg0: i32) -> (i32, i32) {
    %c0_i32 = arith.constant 0 : i32
    %c0_i32_0 = arith.constant 0 : i32
    return %c0_i32, %arg0 : i32, i32
  }
}

module attributes {stable_mosaic.version = 14 : i64} {
  func.func @_loss_body(%arg0: memref<2183x128xf32, #tpu.memory_space<vmem>>, %arg1: memref<16x128xf32, #tpu.memory_space<vmem>>, %arg2: memref<16x128xf32, #tpu.memory_space<vmem>>, %arg3: memref<16x128xf32, #tpu.memory_space<vmem>>, %arg4: memref<16x128xf32, #tpu.memory_space<vmem>>, %arg5: memref<16x128xf32, #tpu.memory_space<vmem>>, %arg6: memref<4x16x128xf32, #tpu.memory_space<vmem>>, %arg7: memref<4x16x128xf32, #tpu.memory_space<vmem>>, %arg8: memref<4x16x128xf32, #tpu.memory_space<vmem>>, %arg9: memref<1x1xf32, #tpu.memory_space<smem>>, %arg10: memref<1x1xf32, #tpu.memory_space<smem>>) attributes {dimension_semantics = [], scalar_prefetch = 0 : i64, scratch_operands = 0 : i64, tpu.core_type = #tpu.core_type<tc>} {
    %get3A = arith.constant 0 : index
    %get3A_0 = arith.constant 0 : index
    %get3A_1 = vector.load %arg4[%get3A, %get3A_0] : memref<16x128xf32, #tpu.memory_space<vmem>>, vector<16x128xf32>
    %get3A_2 = arith.constant 0 : index
    %get3A_3 = arith.constant 0 : index
    %get3A_4 = vector.load %arg5[%get3A_2, %get3A_3] : memref<16x128xf32, #tpu.memory_space<vmem>>, vector<16x128xf32>
    %reduce_sum3A = vector.shape_cast %get3A_4 : vector<16x128xf32> to vector<1x16x128xf32>
    %reduce_sum3A_5 = arith.constant dense<0.000000e+00> : vector<1xf32>
    %reduce_sum3A_6 = vector.multi_reduction <add>, %reduce_sum3A, %reduce_sum3A_5 [1, 2] : vector<1x16x128xf32> to vector<1xf32>
    %reduce_sum3A_7 = vector.shape_cast %reduce_sum3A_6 : vector<1xf32> to vector<1x1x1xf32>
    %reduce_sum3A_8 = vector.extract %reduce_sum3A_7[0, 0, 0] : f32 from vector<1x1x1xf32>
    %get3A_9 = arith.constant 0 : index
    %get3A_10 = arith.constant 0 : index
    %get3A_11 = vector.load %arg3[%get3A_9, %get3A_10] : memref<16x128xf32, #tpu.memory_space<vmem>>, vector<16x128xf32>
    %get3A_12 = arith.constant 0 : index
    %get3A_13 = arith.constant 0 : index
    %get3A_14 = vector.load %arg2[%get3A_12, %get3A_13] : memref<16x128xf32, #tpu.memory_space<vmem>>, vector<16x128xf32>
    %sub3A = arith.subf %get3A_11, %get3A_14 : vector<16x128xf32>
    %mul3A = arith.mulf %get3A_4, %sub3A : vector<16x128xf32>
    %reduce_sum3A_15 = vector.shape_cast %mul3A : vector<16x128xf32> to vector<1x16x128xf32>
    %reduce_sum3A_16 = arith.constant dense<0.000000e+00> : vector<1xf32>
    %reduce_sum3A_17 = vector.multi_reduction <add>, %reduce_sum3A_15, %reduce_sum3A_16 [1, 2] : vector<1x16x128xf32> to vector<1xf32>
    %reduce_sum3A_18 = vector.shape_cast %reduce_sum3A_17 : vector<1xf32> to vector<1x1x1xf32>
    %reduce_sum3A_19 = vector.extract %reduce_sum3A_18[0, 0, 0] : f32 from vector<1x1x1xf32>
    %get3A_20 = arith.constant 0 : index
    %get3A_21 = arith.constant 0 : index
    %get3A_22 = arith.constant 0 : index
    %get3A_23 = vector.load %arg7[%get3A_20, %get3A_21, %get3A_22] : memref<4x16x128xf32, #tpu.memory_space<vmem>>, vector<1x16x128xf32>
    %get3A_24 = vector.shape_cast %get3A_23 : vector<1x16x128xf32> to vector<16x128xf32>
    %get3A_25 = arith.constant 1 : index
    %get3A_26 = arith.constant 0 : index
    %get3A_27 = arith.constant 0 : index
    %get3A_28 = vector.load %arg7[%get3A_25, %get3A_26, %get3A_27] : memref<4x16x128xf32, #tpu.memory_space<vmem>>, vector<1x16x128xf32>
    %get3A_29 = vector.shape_cast %get3A_28 : vector<1x16x128xf32> to vector<16x128xf32>
    %get3A_30 = arith.constant 2 : index
    %get3A_31 = arith.constant 0 : index
    %get3A_32 = arith.constant 0 : index
    %get3A_33 = vector.load %arg7[%get3A_30, %get3A_31, %get3A_32] : memref<4x16x128xf32, #tpu.memory_space<vmem>>, vector<1x16x128xf32>
    %get3A_34 = vector.shape_cast %get3A_33 : vector<1x16x128xf32> to vector<16x128xf32>
    %get3A_35 = arith.constant 3 : index
    %get3A_36 = arith.constant 0 : index
    %get3A_37 = arith.constant 0 : index
    %get3A_38 = vector.load %arg7[%get3A_35, %get3A_36, %get3A_37] : memref<4x16x128xf32, #tpu.memory_space<vmem>>, vector<1x16x128xf32>
    %get3A_39 = vector.shape_cast %get3A_38 : vector<1x16x128xf32> to vector<16x128xf32>
    %get3A_40 = arith.constant 0 : index
    %get3A_41 = arith.constant 0 : index
    %get3A_42 = arith.constant 0 : index
    %get3A_43 = vector.load %arg8[%get3A_40, %get3A_41, %get3A_42] : memref<4x16x128xf32, #tpu.memory_space<vmem>>, vector<1x16x128xf32>
    %get3A_44 = vector.shape_cast %get3A_43 : vector<1x16x128xf32> to vector<16x128xf32>
    %get3A_45 = arith.constant 1 : index
    %get3A_46 = arith.constant 0 : index
    %get3A_47 = arith.constant 0 : index
    %get3A_48 = vector.load %arg8[%get3A_45, %get3A_46, %get3A_47] : memref<4x16x128xf32, #tpu.memory_space<vmem>>, vector<1x16x128xf32>
    %get3A_49 = vector.shape_cast %get3A_48 : vector<1x16x128xf32> to vector<16x128xf32>
    %get3A_50 = arith.constant 2 : index
    %get3A_51 = arith.constant 0 : index
    %get3A_52 = arith.constant 0 : index
    %get3A_53 = vector.load %arg8[%get3A_50, %get3A_51, %get3A_52] : memref<4x16x128xf32, #tpu.memory_space<vmem>>, vector<1x16x128xf32>
    %get3A_54 = vector.shape_cast %get3A_53 : vector<1x16x128xf32> to vector<16x128xf32>
    %get3A_55 = arith.constant 3 : index
    %get3A_56 = arith.constant 0 : index
    %get3A_57 = arith.constant 0 : index
    %get3A_58 = vector.load %arg8[%get3A_55, %get3A_56, %get3A_57] : memref<4x16x128xf32, #tpu.memory_space<vmem>>, vector<1x16x128xf32>
    %get3A_59 = vector.shape_cast %get3A_58 : vector<1x16x128xf32> to vector<16x128xf32>
    %sub3A_60 = arith.subf %get3A_34, %get3A_24 : vector<16x128xf32>
    %sub3A_61 = arith.subf %get3A_39, %get3A_29 : vector<16x128xf32>
    %add3A = arith.addf %get3A_44, %get3A_54 : vector<16x128xf32>
    %mul3A_62 = arith.constant 5.000000e-01 : f32
    %mul3A_63 = vector.broadcast %mul3A_62 : f32 to vector<16x128xf32>
    %mul3A_64 = arith.mulf %add3A, %mul3A_63 : vector<16x128xf32>
    %add3A_65 = arith.addf %get3A_24, %get3A_34 : vector<16x128xf32>
    %mul3A_66 = arith.constant 5.000000e-01 : f32
    %mul3A_67 = vector.broadcast %mul3A_66 : f32 to vector<16x128xf32>
    %mul3A_68 = arith.mulf %add3A_65, %mul3A_67 : vector<16x128xf32>
    %sub3A_69 = arith.subf %mul3A_64, %mul3A_68 : vector<16x128xf32>
    %div3A = arith.divf %sub3A_69, %sub3A_60 : vector<16x128xf32>
    %add3A_70 = arith.addf %get3A_49, %get3A_59 : vector<16x128xf32>
    %mul3A_71 = arith.constant 5.000000e-01 : f32
    %mul3A_72 = vector.broadcast %mul3A_71 : f32 to vector<16x128xf32>
    %mul3A_73 = arith.mulf %add3A_70, %mul3A_72 : vector<16x128xf32>
    %add3A_74 = arith.addf %get3A_29, %get3A_39 : vector<16x128xf32>
    %mul3A_75 = arith.constant 5.000000e-01 : f32
    %mul3A_76 = vector.broadcast %mul3A_75 : f32 to vector<16x128xf32>
    %mul3A_77 = arith.mulf %add3A_74, %mul3A_76 : vector<16x128xf32>
    %sub3A_78 = arith.subf %mul3A_73, %mul3A_77 : vector<16x128xf32>
    %div3A_79 = arith.divf %sub3A_78, %sub3A_61 : vector<16x128xf32>
    %sub3A_80 = arith.subf %get3A_54, %get3A_44 : vector<16x128xf32>
    %div3A_81 = arith.divf %sub3A_80, %sub3A_60 : vector<16x128xf32>
    %log3A = math.log %div3A_81 : vector<16x128xf32>
    %sub3A_82 = arith.subf %get3A_59, %get3A_49 : vector<16x128xf32>
    %div3A_83 = arith.divf %sub3A_82, %sub3A_61 : vector<16x128xf32>
    %log3A_84 = math.log %div3A_83 : vector<16x128xf32>
    %get3A_85 = arith.constant 0 : index
    %get3A_86 = arith.constant 0 : index
    %get3A_87 = arith.constant 0 : index
    %get3A_88 = vector.load %arg6[%get3A_85, %get3A_86, %get3A_87] : memref<4x16x128xf32, #tpu.memory_space<vmem>>, vector<1x16x128xf32>
    %get3A_89 = vector.shape_cast %get3A_88 : vector<1x16x128xf32> to vector<16x128xf32>
    %sub3A_90 = arith.subf %get3A_89, %div3A : vector<16x128xf32>
    %abs3A = math.absf %sub3A_90 : vector<16x128xf32>
    %lt3A = arith.constant 1.000000e+00 : f32
    %lt3A_91 = vector.broadcast %lt3A : f32 to vector<16x128xf32>
    %lt3A_92 = arith.cmpf olt, %abs3A, %lt3A_91 : vector<16x128xf32>
    %mul3A_93 = arith.constant 5.000000e-01 : f32
    %mul3A_94 = vector.broadcast %mul3A_93 : f32 to vector<16x128xf32>
    %mul3A_95 = arith.mulf %mul3A_94, %sub3A_90 : vector<16x128xf32>
    %mul3A_96 = arith.mulf %mul3A_95, %sub3A_90 : vector<16x128xf32>
    %sub3A_97 = arith.constant 5.000000e-01 : f32
    %sub3A_98 = vector.broadcast %sub3A_97 : f32 to vector<16x128xf32>
    %sub3A_99 = arith.subf %abs3A, %sub3A_98 : vector<16x128xf32>
    %select_n3A = arith.select %lt3A_92, %mul3A_96, %sub3A_99 : vector<16x128xi1>, vector<16x128xf32>
    %mul3A_100 = arith.mulf %get3A_1, %select_n3A : vector<16x128xf32>
    %reduce_sum3A_101 = vector.shape_cast %mul3A_100 : vector<16x128xf32> to vector<1x16x128xf32>
    %reduce_sum3A_102 = arith.constant dense<0.000000e+00> : vector<1xf32>
    %reduce_sum3A_103 = vector.multi_reduction <add>, %reduce_sum3A_101, %reduce_sum3A_102 [1, 2] : vector<1x16x128xf32> to vector<1xf32>
    %reduce_sum3A_104 = vector.shape_cast %reduce_sum3A_103 : vector<1xf32> to vector<1x1x1xf32>
    %reduce_sum3A_105 = vector.extract %reduce_sum3A_104[0, 0, 0] : f32 from vector<1x1x1xf32>
    %add3A_106 = arith.constant 0.000000e+00 : f32
    %add3A_107 = arith.addf %add3A_106, %reduce_sum3A_105 : f32
    %get3A_108 = arith.constant 1 : index
    %get3A_109 = arith.constant 0 : index
    %get3A_110 = arith.constant 0 : index
    %get3A_111 = vector.load %arg6[%get3A_108, %get3A_109, %get3A_110] : memref<4x16x128xf32, #tpu.memory_space<vmem>>, vector<1x16x128xf32>
    %get3A_112 = vector.shape_cast %get3A_111 : vector<1x16x128xf32> to vector<16x128xf32>
    %sub3A_113 = arith.subf %get3A_112, %div3A_79 : vector<16x128xf32>
    %abs3A_114 = math.absf %sub3A_113 : vector<16x128xf32>
    %lt3A_115 = arith.constant 1.000000e+00 : f32
    %lt3A_116 = vector.broadcast %lt3A_115 : f32 to vector<16x128xf32>
    %lt3A_117 = arith.cmpf olt, %abs3A_114, %lt3A_116 : vector<16x128xf32>
    %mul3A_118 = arith.constant 5.000000e-01 : f32
    %mul3A_119 = vector.broadcast %mul3A_118 : f32 to vector<16x128xf32>
    %mul3A_120 = arith.mulf %mul3A_119, %sub3A_113 : vector<16x128xf32>
    %mul3A_121 = arith.mulf %mul3A_120, %sub3A_113 : vector<16x128xf32>
    %sub3A_122 = arith.constant 5.000000e-01 : f32
    %sub3A_123 = vector.broadcast %sub3A_122 : f32 to vector<16x128xf32>
    %sub3A_124 = arith.subf %abs3A_114, %sub3A_123 : vector<16x128xf32>
    %select_n3A_125 = arith.select %lt3A_117, %mul3A_121, %sub3A_124 : vector<16x128xi1>, vector<16x128xf32>
    %mul3A_126 = arith.mulf %get3A_1, %select_n3A_125 : vector<16x128xf32>
    %reduce_sum3A_127 = vector.shape_cast %mul3A_126 : vector<16x128xf32> to vector<1x16x128xf32>
    %reduce_sum3A_128 = arith.constant dense<0.000000e+00> : vector<1xf32>
    %reduce_sum3A_129 = vector.multi_reduction <add>, %reduce_sum3A_127, %reduce_sum3A_128 [1, 2] : vector<1x16x128xf32> to vector<1xf32>
    %reduce_sum3A_130 = vector.shape_cast %reduce_sum3A_129 : vector<1xf32> to vector<1x1x1xf32>
    %reduce_sum3A_131 = vector.extract %reduce_sum3A_130[0, 0, 0] : f32 from vector<1x1x1xf32>
    %add3A_132 = arith.addf %add3A_107, %reduce_sum3A_131 : f32
    %get3A_133 = arith.constant 2 : index
    %get3A_134 = arith.constant 0 : index
    %get3A_135 = arith.constant 0 : index
    %get3A_136 = vector.load %arg6[%get3A_133, %get3A_134, %get3A_135] : memref<4x16x128xf32, #tpu.memory_space<vmem>>, vector<1x16x128xf32>
    %get3A_137 = vector.shape_cast %get3A_136 : vector<1x16x128xf32> to vector<16x128xf32>
    %sub3A_138 = arith.subf %get3A_137, %log3A : vector<16x128xf32>
    %abs3A_139 = math.absf %sub3A_138 : vector<16x128xf32>
    %lt3A_140 = arith.constant 1.000000e+00 : f32
    %lt3A_141 = vector.broadcast %lt3A_140 : f32 to vector<16x128xf32>
    %lt3A_142 = arith.cmpf olt, %abs3A_139, %lt3A_141 : vector<16x128xf32>
    %mul3A_143 = arith.constant 5.000000e-01 : f32
    %mul3A_144 = vector.broadcast %mul3A_143 : f32 to vector<16x128xf32>
    %mul3A_145 = arith.mulf %mul3A_144, %sub3A_138 : vector<16x128xf32>
    %mul3A_146 = arith.mulf %mul3A_145, %sub3A_138 : vector<16x128xf32>
    %sub3A_147 = arith.constant 5.000000e-01 : f32
    %sub3A_148 = vector.broadcast %sub3A_147 : f32 to vector<16x128xf32>
    %sub3A_149 = arith.subf %abs3A_139, %sub3A_148 : vector<16x128xf32>
    %select_n3A_150 = arith.select %lt3A_142, %mul3A_146, %sub3A_149 : vector<16x128xi1>, vector<16x128xf32>
    %mul3A_151 = arith.mulf %get3A_1, %select_n3A_150 : vector<16x128xf32>
    %reduce_sum3A_152 = vector.shape_cast %mul3A_151 : vector<16x128xf32> to vector<1x16x128xf32>
    %reduce_sum3A_153 = arith.constant dense<0.000000e+00> : vector<1xf32>
    %reduce_sum3A_154 = vector.multi_reduction <add>, %reduce_sum3A_152, %reduce_sum3A_153 [1, 2] : vector<1x16x128xf32> to vector<1xf32>
    %reduce_sum3A_155 = vector.shape_cast %reduce_sum3A_154 : vector<1xf32> to vector<1x1x1xf32>
    %reduce_sum3A_156 = vector.extract %reduce_sum3A_155[0, 0, 0] : f32 from vector<1x1x1xf32>
    %add3A_157 = arith.addf %add3A_132, %reduce_sum3A_156 : f32
    %get3A_158 = arith.constant 3 : index
    %get3A_159 = arith.constant 0 : index
    %get3A_160 = arith.constant 0 : index
    %get3A_161 = vector.load %arg6[%get3A_158, %get3A_159, %get3A_160] : memref<4x16x128xf32, #tpu.memory_space<vmem>>, vector<1x16x128xf32>
    %get3A_162 = vector.shape_cast %get3A_161 : vector<1x16x128xf32> to vector<16x128xf32>
    %sub3A_163 = arith.subf %get3A_162, %log3A_84 : vector<16x128xf32>
    %abs3A_164 = math.absf %sub3A_163 : vector<16x128xf32>
    %lt3A_165 = arith.constant 1.000000e+00 : f32
    %lt3A_166 = vector.broadcast %lt3A_165 : f32 to vector<16x128xf32>
    %lt3A_167 = arith.cmpf olt, %abs3A_164, %lt3A_166 : vector<16x128xf32>
    %mul3A_168 = arith.constant 5.000000e-01 : f32
    %mul3A_169 = vector.broadcast %mul3A_168 : f32 to vector<16x128xf32>
    %mul3A_170 = arith.mulf %mul3A_169, %sub3A_163 : vector<16x128xf32>
    %mul3A_171 = arith.mulf %mul3A_170, %sub3A_163 : vector<16x128xf32>
    %sub3A_172 = arith.constant 5.000000e-01 : f32
    %sub3A_173 = vector.broadcast %sub3A_172 : f32 to vector<16x128xf32>
    %sub3A_174 = arith.subf %abs3A_164, %sub3A_173 : vector<16x128xf32>
    %select_n3A_175 = arith.select %lt3A_167, %mul3A_171, %sub3A_174 : vector<16x128xi1>, vector<16x128xf32>
    %mul3A_176 = arith.mulf %get3A_1, %select_n3A_175 : vector<16x128xf32>
    %reduce_sum3A_177 = vector.shape_cast %mul3A_176 : vector<16x128xf32> to vector<1x16x128xf32>
    %reduce_sum3A_178 = arith.constant dense<0.000000e+00> : vector<1xf32>
    %reduce_sum3A_179 = vector.multi_reduction <add>, %reduce_sum3A_177, %reduce_sum3A_178 [1, 2] : vector<1x16x128xf32> to vector<1xf32>
    %reduce_sum3A_180 = vector.shape_cast %reduce_sum3A_179 : vector<1xf32> to vector<1x1x1xf32>
    %reduce_sum3A_181 = vector.extract %reduce_sum3A_180[0, 0, 0] : f32 from vector<1x1x1xf32>
    %add3A_182 = arith.addf %add3A_157, %reduce_sum3A_181 : f32
    %reduce_sum3A_183 = vector.shape_cast %get3A_1 : vector<16x128xf32> to vector<1x16x128xf32>
    %reduce_sum3A_184 = arith.constant dense<0.000000e+00> : vector<1xf32>
    %reduce_sum3A_185 = vector.multi_reduction <add>, %reduce_sum3A_183, %reduce_sum3A_184 [1, 2] : vector<1x16x128xf32> to vector<1xf32>
    %reduce_sum3A_186 = vector.shape_cast %reduce_sum3A_185 : vector<1xf32> to vector<1x1x1xf32>
    %reduce_sum3A_187 = vector.extract %reduce_sum3A_186[0, 0, 0] : f32 from vector<1x1x1xf32>
    %mul3A_188 = arith.constant 4.000000e+00 : f32
    %mul3A_189 = arith.mulf %mul3A_188, %reduce_sum3A_187 : f32
    %get3A_190 = arith.constant 0 : index
    %get3A_191 = arith.constant 0 : index
    %get3A_192 = vector.load %arg0[%get3A_190, %get3A_191] : memref<2183x128xf32, #tpu.memory_space<vmem>>, vector<2183x128xf32>
    %bitcast_convert_type3A = tpu.bitcast %get3A_192 : vector<2183x128xf32> -> vector<2183x128xi32>
    %shift_right_arithmetic3A = arith.constant 31 : i32
    %shift_right_arithmetic3A_193 = vector.broadcast %shift_right_arithmetic3A : i32 to vector<2183x128xi32>
    %shift_right_arithmetic3A_194 = arith.shrsi %bitcast_convert_type3A, %shift_right_arithmetic3A_193 : vector<2183x128xi32>
    %and3A = arith.constant 2147483647 : i32
    %and3A_195 = vector.broadcast %and3A : i32 to vector<2183x128xi32>
    %and3A_196 = arith.andi %shift_right_arithmetic3A_194, %and3A_195 : vector<2183x128xi32>
    %xor3A = arith.xori %bitcast_convert_type3A, %and3A_196 : vector<2183x128xi32>
    %gt3A = arith.constant 0.000000e+00 : f32
    %gt3A_197 = vector.broadcast %gt3A : f32 to vector<16x128xf32>
    %gt3A_198 = arith.cmpf ogt, %get3A_1, %gt3A_197 : vector<16x128xf32>
    %get3A_199 = arith.constant 0 : index
    %get3A_200 = arith.constant 0 : index
    %get3A_201 = vector.load %arg1[%get3A_199, %get3A_200] : memref<16x128xf32, #tpu.memory_space<vmem>>, vector<16x128xf32>
    %bitcast_convert_type3A_202 = tpu.bitcast %get3A_201 : vector<16x128xf32> -> vector<16x128xi32>
    %shift_right_arithmetic3A_203 = arith.constant 31 : i32
    %shift_right_arithmetic3A_204 = vector.broadcast %shift_right_arithmetic3A_203 : i32 to vector<16x128xi32>
    %shift_right_arithmetic3A_205 = arith.shrsi %bitcast_convert_type3A_202, %shift_right_arithmetic3A_204 : vector<16x128xi32>
    %and3A_206 = arith.constant 2147483647 : i32
    %and3A_207 = vector.broadcast %and3A_206 : i32 to vector<16x128xi32>
    %and3A_208 = arith.andi %shift_right_arithmetic3A_205, %and3A_207 : vector<16x128xi32>
    %xor3A_209 = arith.xori %bitcast_convert_type3A_202, %and3A_208 : vector<16x128xi32>
    %jit3A = arith.constant 2147483647 : i32
    %broadcast_in_dim3A = vector.broadcast %jit3A : i32 to vector<16x128xi32>
    %select_n3A_210 = arith.select %gt3A_198, %xor3A_209, %broadcast_in_dim3A : vector<16x128xi1>, vector<16x128xi32>
    %mul3A_211 = arith.constant 3.000000e+00 : f32
    %mul3A_212 = arith.mulf %mul3A_211, %reduce_sum3A_8 : f32
    %convert_element_type3A = arith.fptosi %mul3A_212 : f32 to i32
    %scan3A = arith.constant -2147483648 : i32
    %scan3A_213 = arith.constant 0 : i32
    %scan3A_214 = arith.constant 0 : i32
    %scan3A_215 = arith.constant 32 : i32
    %scan3A_216 = arith.addi %scan3A_214, %scan3A_215 : i32
    %scan3A_217 = arith.constant 1 : i32
    %scan3A_218 = scf.for %scan3A_280 = %scan3A_214 to %scan3A_216 step %scan3A_217 iter_args(%scan3A_281 = %scan3A_213) -> (i32)  : i32 {
      %sub3A_282 = arith.constant 31 : i32
      %sub3A_283 = arith.subi %sub3A_282, %scan3A_280 : i32
      %shift_left3A = arith.constant 1 : i32
      %shift_left3A_284 = arith.shli %shift_left3A, %sub3A_283 : i32
      %or3A = arith.ori %scan3A_281, %shift_left3A_284 : i32
      %xor3A_285 = arith.xori %or3A, %scan3A : i32
      %lt3A_286 = vector.broadcast %xor3A_285 : i32 to vector<2183x128xi32>
      %lt3A_287 = arith.cmpi slt, %xor3A, %lt3A_286 : vector<2183x128xi32>
      %convert_element_type3A_288 = arith.extui %lt3A_287 : vector<2183x128xi1> to vector<2183x128xi32>
      %reduce_sum3A_289 = vector.shape_cast %convert_element_type3A_288 : vector<2183x128xi32> to vector<1x2183x128xi32>
      %reduce_sum3A_290 = arith.constant dense<0> : vector<1xi32>
      %reduce_sum3A_291 = vector.multi_reduction <add>, %reduce_sum3A_289, %reduce_sum3A_290 [1, 2] : vector<1x2183x128xi32> to vector<1xi32>
      %reduce_sum3A_292 = vector.shape_cast %reduce_sum3A_291 : vector<1xi32> to vector<1x1x1xi32>
      %reduce_sum3A_293 = vector.extract %reduce_sum3A_292[0, 0, 0] : i32 from vector<1x1x1xi32>
      %lt3A_294 = vector.broadcast %xor3A_285 : i32 to vector<16x128xi32>
      %lt3A_295 = arith.cmpi slt, %select_n3A_210, %lt3A_294 : vector<16x128xi32>
      %convert_element_type3A_296 = arith.extui %lt3A_295 : vector<16x128xi1> to vector<16x128xi32>
      %reduce_sum3A_297 = vector.shape_cast %convert_element_type3A_296 : vector<16x128xi32> to vector<1x16x128xi32>
      %reduce_sum3A_298 = arith.constant dense<0> : vector<1xi32>
      %reduce_sum3A_299 = vector.multi_reduction <add>, %reduce_sum3A_297, %reduce_sum3A_298 [1, 2] : vector<1x16x128xi32> to vector<1xi32>
      %reduce_sum3A_300 = vector.shape_cast %reduce_sum3A_299 : vector<1xi32> to vector<1x1x1xi32>
      %reduce_sum3A_301 = vector.extract %reduce_sum3A_300[0, 0, 0] : i32 from vector<1x1x1xi32>
      %sub3A_302 = arith.subi %reduce_sum3A_293, %reduce_sum3A_301 : i32
      %lt3A_303 = arith.cmpi slt, %sub3A_302, %convert_element_type3A : i32
      %select_n3A_304 = arith.select %lt3A_303, %or3A, %scan3A_281 : i32
      scf.yield %select_n3A_304 : i32
    }
    %scan3A_219 = arith.constant 32 : i32
    %xor3A_220 = arith.constant -2147483648 : i32
    %xor3A_221 = arith.xori %scan3A_218, %xor3A_220 : i32
    %ge3A = arith.constant 0 : i32
    %ge3A_222 = arith.cmpi sge, %xor3A_221, %ge3A : i32
    %xor3A_223 = arith.constant 2147483647 : i32
    %xor3A_224 = arith.xori %xor3A_221, %xor3A_223 : i32
    %select_n3A_225 = arith.select %ge3A_222, %xor3A_221, %xor3A_224 : i32
    %bitcast_convert_type3A_226 = arith.bitcast %select_n3A_225 : i32 to f32
    %lt3A_227 = vector.broadcast %xor3A_221 : i32 to vector<2183x128xi32>
    %lt3A_228 = arith.cmpi slt, %xor3A, %lt3A_227 : vector<2183x128xi32>
    %lt3A_229 = vector.broadcast %xor3A_221 : i32 to vector<16x128xi32>
    %lt3A_230 = arith.cmpi slt, %select_n3A_210, %lt3A_229 : vector<16x128xi32>
    %convert_element_type3A_231 = arith.extui %lt3A_228 : vector<2183x128xi1> to vector<2183x128xi32>
    %convert_element_type3A_232 = arith.sitofp %convert_element_type3A_231 : vector<2183x128xi32> to vector<2183x128xf32>
    %reduce_sum3A_233 = vector.shape_cast %convert_element_type3A_232 : vector<2183x128xf32> to vector<1x2183x128xf32>
    %reduce_sum3A_234 = arith.constant dense<0.000000e+00> : vector<1xf32>
    %reduce_sum3A_235 = vector.multi_reduction <add>, %reduce_sum3A_233, %reduce_sum3A_234 [1, 2] : vector<1x2183x128xf32> to vector<1xf32>
    %reduce_sum3A_236 = vector.shape_cast %reduce_sum3A_235 : vector<1xf32> to vector<1x1x1xf32>
    %reduce_sum3A_237 = vector.extract %reduce_sum3A_236[0, 0, 0] : f32 from vector<1x1x1xf32>
    %convert_element_type3A_238 = arith.extui %lt3A_230 : vector<16x128xi1> to vector<16x128xi32>
    %convert_element_type3A_239 = arith.sitofp %convert_element_type3A_238 : vector<16x128xi32> to vector<16x128xf32>
    %reduce_sum3A_240 = vector.shape_cast %convert_element_type3A_239 : vector<16x128xf32> to vector<1x16x128xf32>
    %reduce_sum3A_241 = arith.constant dense<0.000000e+00> : vector<1xf32>
    %reduce_sum3A_242 = vector.multi_reduction <add>, %reduce_sum3A_240, %reduce_sum3A_241 [1, 2] : vector<1x16x128xf32> to vector<1xf32>
    %reduce_sum3A_243 = vector.shape_cast %reduce_sum3A_242 : vector<1xf32> to vector<1x1x1xf32>
    %reduce_sum3A_244 = vector.extract %reduce_sum3A_243[0, 0, 0] : f32 from vector<1x1x1xf32>
    %sub3A_245 = arith.subf %reduce_sum3A_237, %reduce_sum3A_244 : f32
    %jit3A_246 = arith.constant 0.000000e+00 : f32
    %broadcast_in_dim3A_247 = vector.broadcast %jit3A_246 : f32 to vector<2183x128xf32>
    %select_n3A_248 = arith.select %lt3A_228, %get3A_192, %broadcast_in_dim3A_247 : vector<2183x128xi1>, vector<2183x128xf32>
    %reduce_sum3A_249 = vector.shape_cast %select_n3A_248 : vector<2183x128xf32> to vector<1x2183x128xf32>
    %reduce_sum3A_250 = arith.constant dense<0.000000e+00> : vector<1xf32>
    %reduce_sum3A_251 = vector.multi_reduction <add>, %reduce_sum3A_249, %reduce_sum3A_250 [1, 2] : vector<1x2183x128xf32> to vector<1xf32>
    %reduce_sum3A_252 = vector.shape_cast %reduce_sum3A_251 : vector<1xf32> to vector<1x1x1xf32>
    %reduce_sum3A_253 = vector.extract %reduce_sum3A_252[0, 0, 0] : f32 from vector<1x1x1xf32>
    %get3A_254 = arith.constant 0 : index
    %get3A_255 = arith.constant 0 : index
    %get3A_256 = vector.load %arg1[%get3A_254, %get3A_255] : memref<16x128xf32, #tpu.memory_space<vmem>>, vector<16x128xf32>
    %jit3A_257 = arith.constant 0.000000e+00 : f32
    %broadcast_in_dim3A_258 = vector.broadcast %jit3A_257 : f32 to vector<16x128xf32>
    %select_n3A_259 = arith.select %lt3A_230, %get3A_256, %broadcast_in_dim3A_258 : vector<16x128xi1>, vector<16x128xf32>
    %reduce_sum3A_260 = vector.shape_cast %select_n3A_259 : vector<16x128xf32> to vector<1x16x128xf32>
    %reduce_sum3A_261 = arith.constant dense<0.000000e+00> : vector<1xf32>
    %reduce_sum3A_262 = vector.multi_reduction <add>, %reduce_sum3A_260, %reduce_sum3A_261 [1, 2] : vector<1x16x128xf32> to vector<1xf32>
    %reduce_sum3A_263 = vector.shape_cast %reduce_sum3A_262 : vector<1xf32> to vector<1x1x1xf32>
    %reduce_sum3A_264 = vector.extract %reduce_sum3A_263[0, 0, 0] : f32 from vector<1x1x1xf32>
    %sub3A_265 = arith.subf %reduce_sum3A_253, %reduce_sum3A_264 : f32
    %convert_element_type3A_266 = arith.sitofp %convert_element_type3A : i32 to f32
    %sub3A_267 = arith.subf %convert_element_type3A_266, %sub3A_245 : f32
    %mul3A_268 = arith.mulf %sub3A_267, %bitcast_convert_type3A_226 : f32
    %add3A_269 = arith.addf %sub3A_265, %mul3A_268 : f32
    %add3A_270 = arith.addf %reduce_sum3A_19, %add3A_269 : f32
    %neg3A = arith.constant 0.000000e+00 : f32
    %neg3A_271 = arith.subf %neg3A, %add3A_270 : f32
    %add3A_272 = arith.addf %reduce_sum3A_8, %convert_element_type3A_266 : f32
    %div3A_273 = arith.divf %neg3A_271, %add3A_272 : f32
    %swap3A = arith.constant 0 : index
    %swap3A_274 = arith.constant 0 : index
    %swap3A_275 = memref.load %arg9[%swap3A, %swap3A_274] : memref<1x1xf32, #tpu.memory_space<smem>>
    memref.store %div3A_273, %arg9[%swap3A, %swap3A_274] : memref<1x1xf32, #tpu.memory_space<smem>>
    %div3A_276 = arith.divf %add3A_182, %mul3A_189 : f32
    %swap3A_277 = arith.constant 0 : index
    %swap3A_278 = arith.constant 0 : index
    %swap3A_279 = memref.load %arg10[%swap3A_277, %swap3A_278] : memref<1x1xf32, #tpu.memory_space<smem>>
    memref.store %div3A_276, %arg10[%swap3A_277, %swap3A_278] : memref<1x1xf32, #tpu.memory_space<smem>>
    return
  }
}

</mosaic_0001>

<sc_bundles>
// kernel: kernel.5.cloned.1.call-start
scs
__scs_entry_jumppad:
0x0: {  	(pc) =	sbr.rel $0x88, $3  }
0x1: {  	(tag) =	ssettag $0x0;
	lr =	simm.s32 $0x1  }
0x2: {  	[smem:$0x3F9D] =	sst lr;
	_ =	strace $0xD0000000  }
0x3: {  	_ = 	snop  }
0x4: {  	_ = 	snop  }
0x5: {  	_ = 	snop  }
0x6: {  	_ = 	snop  }
0x7: {  	_ = 	snop  }
__scs_overlays_trampoline_lowered:
0x8: {  	[smem:$0x3FAC] =	sst s0  }
0x9: {  	[smem:$0x3FAD] =	sst s1  }
0xa: {  	[smem:$0x3FAE] =	sst s2  }
0xb: {  	[smem:$0x3FAF] =	sst s3  }
0xc: {  	[smem:$0x3FB0] =	sst s4  }
0xd: {  	[smem:$0x3FB1] =	sst s5  }
0xe: {  	[smem:$0x3FB2] =	sst s6  }
0xf: {  	[smem:$0x3FB3] =	sst s7  }
0x10: {  	[smem:$0x3FB4] =	sst s8  }
0x11: {  	[smem:$0x3FB5] =	sst s9;
	s0 =	simm.s32 @!p0 $0x0  }
0x12: {  	s1 =	sld [smem:$0x3F9B];
	s0 =	simm.s32 @p0 $0x1  }
0x13: {  	[smem:$0x3FB6] =	sst s0;
	s0 =	simm.s32 @!p1 $0x0  }
0x14: {  	s2 =	sld [smem:$0x3F9A];
	s0 =	simm.s32 @p1 $0x1  }
0x15: {  	[smem:$0x3FB7] =	sst s0;
	s0 =	simm.s32 @!p2 $0x0  }
0x16: {  	s3 =	sld [smem:$0x3FDB];
	s0 =	simm.s32 @p2 $0x1  }
0x17: {  	s4 =	simm.s32 $0x1BF5;
	[smem:$0x3FB9] =	sst s0  }
0x18: {  	s0 =	sld [smem:$0x3F9C];
	_ =	swait.ge [sflag:s4], $0x0  }
0x19: {  	s7 =	sld [smem:$0x3F9D]  }
0x1a: {  	s8 =	sadd.s32 $0xFFFFE003, lr  }
0x1b: {  	s9 =	sadd.s32 $0xFFFFFEF7, lr;
	s5 =	simm.s32 $0xFFFFFFFF;
	p2 =	slt.u32 s8, $0xFFFFF086  }
0x1c: {  	p1 =	slt.u32 s9, $0xF7A;
	s5 =	simm.s32 @!p2 $0x0  }
0x1d: {  	s5 =	simm.s32 @p1 $0x1;
	p0 =	seq.s32 s7, s2  }
0x1e: {  	s7 =	smul.u32 @!p0 $0xF7A, s2;
	p2 =	seq.s32 @!p0 s5, $0x0  }
0x1f: {  	s9 =	smul.u32 $0xF7A, s1;
	s8 =	simm.s32 @!p0 $0x1BF5;
	p2 =	por !p2, p0  }
0x20: {  	[sflag:s8] =	ssyncset.s32 @!p0 $0xFFFFF086;
	s6 =	sadd.s32 @!p0 s3, s7;
	s7 =	simm.s32 @!p0 $0x108  }
0x21: {  	s3 =	sadd.s32 s3, s9;
	s6 =	sadd.s32 @!p0 $0x88, s6;
	s7 =	simm.s32 @p2 $0x1082  }
0x22: {  	[simem:s7], [sflag:s8] =	dma.local @!p0 [hbm:s6], $0xF7A  }
0x23: {  	s9 =	sor.u32 $0xD0000000, s2;
	s6 =	simm.s32 $0x108;
	_ =	swait.ge @!p0 [sflag:s8], $0x0  }
0x24: {  	s3 =	sadd.s32 $0x88, s3;
	s6 =	simm.s32 @!p1 $0x1082;
	[sflag:s4] =	ssyncset.s32 $0xFFFFF086  }
0x25: {  	[simem:s6], [sflag:s4] =	dma.local [hbm:s3], $0xF7A  }
0x26: {  	[smem:$0x3F9D] =	sst s1;
	(tag) =	ssettag s2;
	_ =	strace s9  }
0x27: {  	s1 =	sld [smem:$0x3FAD]  }
0x28: {  	s2 =	sld [smem:$0x3FAE]  }
0x29: {  	s4 =	sld [smem:$0x3FB0]  }
0x2a: {  	p0 =	seq.s32 s5, $0x0;
	s5 =	sld [smem:$0x3FB1]  }
0x2b: {  	s6 =	sld [smem:$0x3FB2]  }
0x2c: {  	s7 =	sld [smem:$0x3FB3]  }
0x2d: {  	s3 =	simm.s32 $0x108;
	s8 =	sld [smem:$0x3FB4]  }
0x2e: {  	s3 =	simm.s32 @!p0 $0x1082;
	s9 =	sld [smem:$0x3FB5]  }
0x2f: {  	lr =	sadd.s32 s0, s3;
	s0 =	sld [smem:$0x3FAC]  }
0x30: {  	s3 =	sld [smem:$0x3FAF]  }
0x31: {  	[smem:$0x3FB8] =	sst s10  }
0x32: {  	s10 =	sld [smem:$0x3FB6];
	_ =	sdelay $0x3  }
0x33: {  	p0 =	seq.s32 s10, $0x1;
	s10 =	sld [smem:$0x3FB8];
	_ =	sdelay $0x3  }
0x34: {  	[smem:$0x3FB8] =	sst s10  }
0x35: {  	s10 =	sld [smem:$0x3FB7];
	_ =	sdelay $0x3  }
0x36: {  	p1 =	seq.s32 s10, $0x1;
	s10 =	sld [smem:$0x3FB8];
	_ =	sdelay $0x3  }
0x37: {  	[smem:$0x3FB8] =	sst s10  }
0x38: {  	s10 =	sld [smem:$0x3FB9]  }
0x39: {  	_ = 	snop;
	(pc) =	sbr.ind lr, $3  }
0x3a: {  	_ = 	snop  }
0x3b: {  	_ = 	snop  }
0x3c: {  	p2 =	seq.s32 s10, $0x1;
	s10 =	sld [smem:$0x3FB8]  }
0x3d: {  	_ =	shalt  }
0x3e: {  	_ =	shalt  }
0x3f: {  	_ =	shalt  }
0x40: {  	_ =	shalt  }
0x41: {  	_ =	shalt  }
0x42: {  	_ =	shalt  }
0x43: {  	_ =	shalt  }
0x44: {  	_ =	shalt  }
0x45: {  	_ =	shalt  }
0x46: {  	_ =	shalt  }
0x47: {  	_ =	shalt  }
0x48: {  	_ =	shalt  }
0x49: {  	_ =	shalt  }
0x4a: {  	_ =	shalt  }
0x4b: {  	_ =	shalt  }
0x4c: {  	_ =	shalt  }
0x4d: {  	_ =	shalt  }
0x4e: {  	_ =	shalt  }
0x4f: {  	_ =	shalt  }
0x50: {  	_ =	shalt  }
0x51: {  	_ =	shalt  }
0x52: {  	_ =	shalt  }
0x53: {  	_ =	shalt  }
0x54: {  	_ =	shalt  }
0x55: {  	_ =	shalt  }
0x56: {  	_ =	shalt  }
0x57: {  	_ =	shalt  }
0x58: {  	_ =	shalt  }
0x59: {  	_ =	shalt  }
0x5a: {  	_ =	shalt  }
0x5b: {  	_ =	shalt  }
0x5c: {  	_ =	shalt  }
0x5d: {  	_ =	shalt  }
0x5e: {  	_ =	shalt  }
0x5f: {  	_ =	shalt  }
0x60: {  	_ =	shalt  }
0x61: {  	_ =	shalt  }
0x62: {  	_ =	shalt  }
0x63: {  	_ =	shalt  }
0x64: {  	_ =	shalt  }
0x65: {  	_ =	shalt  }
0x66: {  	_ =	shalt  }
0x67: {  	_ =	shalt  }
0x68: {  	_ =	shalt  }
0x69: {  	_ =	shalt  }
0x6a: {  	_ =	shalt  }
0x6b: {  	_ =	shalt  }
0x6c: {  	_ =	shalt  }
0x6d: {  	_ =	shalt  }
0x6e: {  	_ =	shalt  }
0x6f: {  	_ =	shalt  }
0x70: {  	_ =	shalt  }
0x71: {  	_ =	shalt  }
0x72: {  	_ =	shalt  }
0x73: {  	_ =	shalt  }
0x74: {  	_ =	shalt  }
0x75: {  	_ =	shalt  }
0x76: {  	_ =	shalt  }
0x77: {  	_ =	shalt  }
0x78: {  	_ =	shalt  }
0x79: {  	_ =	shalt  }
0x7a: {  	_ =	shalt  }
0x7b: {  	_ =	shalt  }
0x7c: {  	_ =	shalt  }
0x7d: {  	_ =	shalt  }
0x7e: {  	_ =	shalt  }
0x7f: {  	_ =	shalt  }
0x80: {  	_ =	shalt  }
0x81: {  	_ =	shalt  }
0x82: {  	_ =	shalt  }
0x83: {  	_ =	shalt  }
0x84: {  	_ =	shalt  }
0x85: {  	_ =	shalt  }
0x86: {  	_ =	shalt  }
0x87: {  	_ =	shalt  }
.Lfunc_end0:
.L_simem_size_0:
called_computation_lowered:
.L_overlay_start_0:
0x88: {  	s2 =	sld [smem:$0x3FD9]  }
0x89: {  	s3 =	sld [smem:$0x3FFE];
	_ =	sdelay $0x1  }
0x8a: {  	s1 =	srdreg.scid  }
0x8b: {  	s0 =	sand.u32 $0x1, s1  }
0x8c: {  	s16 =	sshll.u32 s0, $0xA;
	s2 =	sadd.s32 s3, s2  }
0x8d: {  	s2 =	sadd.s32 s2, s16  }
0x8e: {  	[smem:$0x3FC4] =	sst s2  }
0x8f: {  	_ = 	snop  }
0x90: {  	(tm) =	ssettm $0x1  }
0x91: {  	s17 =	sld [smem:$0x3FFB];
	_ =	sdelay $0x3  }
0x92: {  	_ =	strace s17  }
0x93: {  	s2 =	sld [smem:$0x3FFC];
	_ =	sdelay $0x3  }
0x94: {  	_ =	strace s2  }
0x95: {  	s2 =	sld [smem:$0x3FFD];
	_ =	sdelay $0x3  }
0x96: {  	_ =	strace s2  }
0x97: {  	_ =	strace $0x8FFFFFFF  }
0x98: {  	s18 =	sld [smem:$0x3FDB];
	_ =	sdelay $0x1  }
0x99: {  	s19 =	simm.s32 $_scs_section_size  }
0x9a: {  	s4 =	simm.s32 $_size__tile_overlayer_lowered;
	s5 =	simm.s32 $_tile_overlayer_lowered  }
0x9b: {  	s22 =	simm.s32 $0x1BFF;
	s21 =	sshll.u32 s5, $0x1;
	s2 =	sadd.s32 s19, s18  }
0x9c: {  	s6 =	simm.s32 $0x0;
	s20 =	sshll.u32 s4, $0x1;
	s4 =	sadd.s32 s21, s2  }
0x9d: {  	[timem:s6], [sflag:s22] =	dma.local [hbm:s4], s20  }
0x9e: {  	_ =	swait.ge [sflag:s22], s20  }
0x9f: {  	s3 =	ssub.s32 $0x0, s20;
	[sflag:s22] =	ssyncset.done $0x0  }
0xa0: {  	[sflag:s22] =	ssyncadd.s32 s3;
	_ =	sdelay $0x1  }
0xa1: {  	s23 =	simm.s32 $0x1B8B  }
0xa2: {  	_ =	swait.ge [sflag:s23], $0x1  }
0xa3: {  	[sflag:s23] =	ssyncset.done $0x0  }
0xa4: {  	s25 =	simm.s32 $0x1B8E;
	s24 =	sld [smem:$0x3FFE];
	[sflag:s23] =	ssyncadd.s32 $0xFFFFFFFF  }
0xa5: {  	s26 =	simm.s32 $execute0_lowered;
	[smem:$0x3FD2] =	sst s25  }
0xa6: {  	s4 =	sshll.u32 s26, $0x1;
	_ =	strace $0x80000046;
	[dreg:$0x1] =	wrdreg $0xFFFFFFFF  }
0xa7: {  	s28 =	simm.s32 $_size_execute0_lowered;
	s2 =	sadd.s32 s2, s4;
	[dreg:$0x0] =	wrdreg $0x0  }
0xa8: {  	s4 =	sshll.u32 s28, $0x1;
	[dreg:$0x2] =	wrdreg s2  }
0xa9: {  	[dreg:$0x3] =	wrdreg s4  }
0xaa: {  	[dreg:$0x4] =	wrdreg $0xC0  }
0xab: {  	_ =	task [dreg:s6], $0x5FFFF  }
0xac: {  	[dreg:$0x1] =	wrdreg $0xFFFFFFFF  }
0xad: {  	[dreg:$0x0] =	wrdreg $0x60  }
0xae: {  	[dreg:$0x2] =	wrdreg s24  }
0xaf: {  	[dreg:$0x3] =	wrdreg $0x9  }
0xb0: {  	_ =	task.clear_ibuf [dreg:s6], $0x4FFFF;
	_ =	strace $0x90000046  }
0xb1: {  	s29 =	simm.s32 $0x9;
	_ =	strace $0x80000048  }
0xb2: {  	_ =	swait.ge [sflag:s29], $0x1  }
0xb3: {  	[sflag:s29] =	ssyncadd.s32 $0xFFFFFFFF  }
0xb4: {  	_ =	strace $0x90000048  }
0xb5: {  	_ =	sfence  }
0xb6: {  	s30 =	sld [smem:$0x0];
	_ =	sdelay $0x2  }
0xb7: {  	s31 =	sshll.u32 s1, $0xD;
	s1 =	sshrl.u32 s1, $0x2  }
0xb8: {  	s3 =	sand.u32 $0x4000, s31;
	s1 =	sadd.s32 s1, s30  }
0xb9: {  	s0 =	sor.u32 s3, s0;
	s1 =	sshll.u32 s1, $0x11  }
0xba: {  	s0 =	sor.u32 s1, s0  }
0xbb: {  	s0 =	sadd.s32 $0x8F2B, s0  }
0xbc: {  	[sflag:s0] =	ssyncadd.remote.s32 $0x1  }
0xbd: {  	_ =	sfence.sel $0xFFFF  }
0xbe: {  	[dreg:$0x0] =	wrdreg $0xFFFFFFFF;
	(pc) =	sbr.abs _section_cstart, $3  }
0xbf: {  	[dreg:$0x1] =	wrdreg $0xFFFFFFFF  }
0xc0: {  	_ =	task.clear_ibuf [dreg:s6], $0x2FFFF;
	_ =	strace $0x9FFFFFFF  }
0xc1: {  	(tm) =	ssettm $0x7FFFFFFF  }
tec
execute0_lowered:
.L_overlay_start_1:
0x0: {  	(tag) =	ssettag $0x1  }
0x1: {  	s23 =	rddreg [dreg:$0x0];
	s1 =	simm.s32 $0x0;
	s3 =	srdreg.scid  }
0x2: {  	s0 =	stileid.u32;
	[smem:$0x7FF] =	sst s1  }
0x3: {  	s31 =	sadd.s32 $0x52FE00, s23;
	s2 =	sadd.s32 $0xB7600, s23;
	s3 =	sand.u32 $0x1, s3  }
0x4: {  	s25 =	sadd.s32 $0xC0000, s23;
	_ =	strace $0x80000047;
	[dreg:$0x2] =	wrdreg s2  }
0x5: {  	s4 =	sshll.u32 s0, $0x7;
	[dreg:$0x5] =	wrdreg s3;
	s3 =	sshll.u32 s3, $0x3  }
0x6: {  	s26 =	sadd.s32 $0x4400, s23;
	[dreg:$0x3] =	wrdreg s25;
	s30 =	sor.u32 s3, s4  }
0x7: {  	[dreg:$0x4] =	wrdreg s26;
	s3 =	simm.s32 $0x2;
	s4 =	sadd.s32 s31, s30  }
0x8: {  	[tilespmem:s1], [sflag:$0x2] =	stream.linear.gather [hbm4b:s4+s1], $0x40, $0x38;
	[tilespmem:$0x100] =	vst v63  }
0x9: {  	_ =	swait.ge [sflag:s3], $0x40  }
0xa: {  	s5 =	simm.s32 $0x40;
	s6 =	simm.s32 $0x80;
	[sflag:s3] =	ssyncset.done $0x0  }
0xb: {  	s7 =	simm.s32 $0x1;
	s0 =	rddreg [dreg:$0x2];
	[sflag:s3] =	ssyncadd.s32 $0xFFFFFFC0  }
0xc: {  	[tilespmem:s6], [sflag:$0x1] =	stream.indirect.gather [hbm4b:s0+s5], $0x1, s1, s5, $0xb8;
	[tilespmem:$0x100] =	vst v63  }
0xd: {  	_ =	swait.ge [sflag:s7], $0x40  }
0xe: {  	s2 =	sadd.s32 $0x530E00, s23;
	[sflag:s7] =	ssyncset.done $0x0  }
0xf: {  	s8 =	sadd.s32 s2, s30;
	[sflag:s7] =	ssyncadd.s32 $0xFFFFFFC0  }
0x10: {  	[hbm4b:s8+s1] =	stream.linear.scatter [tilespmem:s6], [sflag:$0x2], $0x40, $0x38;
	[tilespmem:$0x100] =	vst v63  }
0x11: {  	_ =	swait.ge [sflag:s3], $0x40  }
0x12: {  	s10 =	sor.u32 $0x10, s30;
	[sflag:s3] =	ssyncset.done $0x0  }
0x13: {  	s9 =	sadd.s32 s31, s10;
	[sflag:s3] =	ssyncadd.s32 $0xFFFFFFC0  }
0x14: {  	[tilespmem:s1], [sflag:$0x2] =	stream.linear.gather [hbm4b:s9+s1], $0x40, $0x38;
	[tilespmem:$0x100] =	vst v63  }
0x15: {  	_ =	swait.ge [sflag:s3], $0x40  }
0x16: {  	[sflag:s3] =	ssyncset.done $0x0  }
0x17: {  	s11 =	rddreg [dreg:$0x3];
	[sflag:s3] =	ssyncadd.s32 $0xFFFFFFC0  }
0x18: {  	[tilespmem:s6], [sflag:$0x1] =	stream.indirect.gather [hbm4b:s11+s5], $0x1, s1, s5, $0xb8;
	[tilespmem:$0x100] =	vst v63  }
0x19: {  	_ =	swait.ge [sflag:s7], $0x40  }
0x1a: {  	[sflag:s7] =	ssyncset.done $0x0  }
0x1b: {  	s10 =	sadd.s32 s2, s10;
	[sflag:s7] =	ssyncadd.s32 $0xFFFFFFC0  }
0x1c: {  	[hbm4b:s10+s1] =	stream.linear.scatter [tilespmem:s6], [sflag:$0x2], $0x40, $0x38;
	[tilespmem:$0x100] =	vst v63  }
0x1d: {  	_ =	swait.ge [sflag:s3], $0x40  }
0x1e: {  	s12 =	sor.u32 $0x20, s30;
	[sflag:s3] =	ssyncset.done $0x0  }
0x1f: {  	s11 =	sadd.s32 s31, s12;
	[sflag:s3] =	ssyncadd.s32 $0xFFFFFFC0  }
0x20: {  	[tilespmem:s1], [sflag:$0x2] =	stream.linear.gather [hbm4b:s11+s1], $0x40, $0x38;
	[tilespmem:$0x100] =	vst v63  }
0x21: {  	_ =	swait.ge [sflag:s3], $0x40  }
0x22: {  	[sflag:s3] =	ssyncset.done $0x0  }
0x23: {  	s13 =	rddreg [dreg:$0x4];
	[sflag:s3] =	ssyncadd.s32 $0xFFFFFFC0  }
0x24: {  	[tilespmem:s6], [sflag:$0x1] =	stream.indirect.gather [hbm4b:s13+s5], $0x1, s1, s5, $0xb8;
	[tilespmem:$0x100] =	vst v63  }
0x25: {  	_ =	swait.ge [sflag:s7], $0x40  }
0x26: {  	[sflag:s7] =	ssyncset.done $0x0  }
0x27: {  	s12 =	sadd.s32 s2, s12;
	[sflag:s7] =	ssyncadd.s32 $0xFFFFFFC0  }
0x28: {  	[hbm4b:s12+s1] =	stream.linear.scatter [tilespmem:s6], [sflag:$0x2], $0x40, $0x38;
	[tilespmem:$0x100] =	vst v63  }
0x29: {  	_ =	swait.ge [sflag:s3], $0x40  }
0x2a: {  	s15 =	sor.u32 $0x30, s30;
	[sflag:s3] =	ssyncset.done $0x0  }
0x2b: {  	s13 =	sadd.s32 s31, s15;
	[sflag:s3] =	ssyncadd.s32 $0xFFFFFFC0  }
0x2c: {  	[tilespmem:s1], [sflag:$0x2] =	stream.linear.gather [hbm4b:s13+s1], $0x40, $0x38;
	[tilespmem:$0x100] =	vst v63  }
0x2d: {  	_ =	swait.ge [sflag:s3], $0x40  }
0x2e: {  	[sflag:s3] =	ssyncset.done $0x0  }
0x2f: {  	s14 =	sadd.s32 $0x50CA00, s23;
	[sflag:s3] =	ssyncadd.s32 $0xFFFFFFC0  }
0x30: {  	[tilespmem:s6], [sflag:$0x1] =	stream.indirect.gather [hbm4b:s14+s5], $0x1, s1, s5, $0xb8;
	[tilespmem:$0x100] =	vst v63  }
0x31: {  	_ =	swait.ge [sflag:s7], $0x40  }
0x32: {  	[sflag:s7] =	ssyncset.done $0x0  }
0x33: {  	s15 =	sadd.s32 s2, s15;
	[sflag:s7] =	ssyncadd.s32 $0xFFFFFFC0  }
0x34: {  	[hbm4b:s15+s1] =	stream.linear.scatter [tilespmem:s6], [sflag:$0x2], $0x40, $0x38;
	[tilespmem:$0x100] =	vst v63  }
0x35: {  	_ =	swait.ge [sflag:s3], $0x40  }
0x36: {  	s17 =	sor.u32 $0x40, s30;
	[sflag:s3] =	ssyncset.done $0x0  }
0x37: {  	s16 =	sadd.s32 s31, s17;
	[sflag:s3] =	ssyncadd.s32 $0xFFFFFFC0  }
0x38: {  	[tilespmem:s1], [sflag:$0x2] =	stream.linear.gather [hbm4b:s16+s1], $0x40, $0x38;
	[tilespmem:$0x100] =	vst v63  }
0x39: {  	_ =	swait.ge [sflag:s3], $0x40  }
0x3a: {  	[sflag:s3] =	ssyncset.done $0x0  }
0x3b: {  	[sflag:s3] =	ssyncadd.s32 $0xFFFFFFC0  }
0x3c: {  	[tilespmem:s6], [sflag:$0x1] =	stream.indirect.gather [hbm4b:s14+s5], $0x1, s1, s5, $0xb8;
	[tilespmem:$0x100] =	vst v63  }
0x3d: {  	_ =	swait.ge [sflag:s7], $0x40  }
0x3e: {  	[sflag:s7] =	ssyncset.done $0x0  }
0x3f: {  	s17 =	sadd.s32 s2, s17;
	[sflag:s7] =	ssyncadd.s32 $0xFFFFFFC0  }
0x40: {  	[hbm4b:s17+s1] =	stream.linear.scatter [tilespmem:s6], [sflag:$0x2], $0x40, $0x38;
	[tilespmem:$0x100] =	vst v63  }
0x41: {  	_ =	swait.ge [sflag:s3], $0x40  }
0x42: {  	s19 =	sor.u32 $0x50, s30;
	[sflag:s3] =	ssyncset.done $0x0  }
0x43: {  	s18 =	sadd.s32 s31, s19;
	[sflag:s3] =	ssyncadd.s32 $0xFFFFFFC0  }
0x44: {  	[tilespmem:s1], [sflag:$0x2] =	stream.linear.gather [hbm4b:s18+s1], $0x40, $0x38;
	[tilespmem:$0x100] =	vst v63  }
0x45: {  	_ =	swait.ge [sflag:s3], $0x40  }
0x46: {  	[sflag:s3] =	ssyncset.done $0x0  }
0x47: {  	[sflag:s3] =	ssyncadd.s32 $0xFFFFFFC0  }
0x48: {  	[tilespmem:s6], [sflag:$0x1] =	stream.indirect.gather [hbm4b:s14+s5], $0x1, s1, s5, $0xb8;
	[tilespmem:$0x100] =	vst v63  }
0x49: {  	_ =	swait.ge [sflag:s7], $0x40  }
0x4a: {  	[sflag:s7] =	ssyncset.done $0x0  }
0x4b: {  	s19 =	sadd.s32 s2, s19;
	[sflag:s7] =	ssyncadd.s32 $0xFFFFFFC0  }
0x4c: {  	[hbm4b:s19+s1] =	stream.linear.scatter [tilespmem:s6], [sflag:$0x2], $0x40, $0x38;
	[tilespmem:$0x100] =	vst v63  }
0x4d: {  	_ =	swait.ge [sflag:s3], $0x40  }
0x4e: {  	s21 =	sor.u32 $0x60, s30;
	[sflag:s3] =	ssyncset.done $0x0  }
0x4f: {  	s20 =	sadd.s32 s31, s21;
	[sflag:s3] =	ssyncadd.s32 $0xFFFFFFC0  }
0x50: {  	[tilespmem:s1], [sflag:$0x2] =	stream.linear.gather [hbm4b:s20+s1], $0x40, $0x38;
	[tilespmem:$0x100] =	vst v63  }
0x51: {  	_ =	swait.ge [sflag:s3], $0x40  }
0x52: {  	[sflag:s3] =	ssyncset.done $0x0  }
0x53: {  	[sflag:s3] =	ssyncadd.s32 $0xFFFFFFC0  }
0x54: {  	[tilespmem:s6], [sflag:$0x1] =	stream.indirect.gather [hbm4b:s14+s5], $0x1, s1, s5, $0xb8;
	[tilespmem:$0x100] =	vst v63  }
0x55: {  	_ =	swait.ge [sflag:s7], $0x40  }
0x56: {  	[sflag:s7] =	ssyncset.done $0x0  }
0x57: {  	s21 =	sadd.s32 s2, s21;
	[sflag:s7] =	ssyncadd.s32 $0xFFFFFFC0  }
0x58: {  	[hbm4b:s21+s1] =	stream.linear.scatter [tilespmem:s6], [sflag:$0x2], $0x40, $0x38;
	[tilespmem:$0x100] =	vst v63  }
0x59: {  	_ =	swait.ge [sflag:s3], $0x40  }
0x5a: {  	s24 =	sor.u32 $0x70, s30;
	[sflag:s3] =	ssyncset.done $0x0  }
0x5b: {  	s22 =	sadd.s32 s31, s24;
	[sflag:s3] =	ssyncadd.s32 $0xFFFFFFC0  }
0x5c: {  	[tilespmem:s1], [sflag:$0x2] =	stream.linear.gather [hbm4b:s22+s1], $0x40, $0x38;
	[tilespmem:$0x100] =	vst v63  }
0x5d: {  	_ =	swait.ge [sflag:s3], $0x40  }
0x5e: {  	[sflag:s3] =	ssyncset.done $0x0  }
0x5f: {  	s23 =	sadd.s32 $0x52EC00, s23;
	[sflag:s3] =	ssyncadd.s32 $0xFFFFFFC0  }
0x60: {  	[tilespmem:s6], [sflag:$0x1] =	stream.indirect.gather [hbm4b:s23+s5], $0x1, s1, s5, $0xb8;
	[tilespmem:$0x100] =	vst v63  }
0x61: {  	_ =	swait.ge [sflag:s7], $0x40  }
0x62: {  	[sflag:s7] =	ssyncset.done $0x0  }
0x63: {  	s24 =	sadd.s32 s2, s24;
	[sflag:s7] =	ssyncadd.s32 $0xFFFFFFC0  }
0x64: {  	[hbm4b:s24+s1] =	stream.linear.scatter [tilespmem:s6], [sflag:$0x2], $0x40, $0x38;
	[tilespmem:$0x100] =	vst v63  }
0x65: {  	_ =	swait.ge [sflag:s3], $0x40  }
0x66: {  	s26 =	sor.u32 $0x800, s30;
	[sflag:s3] =	ssyncset.done $0x0  }
0x67: {  	s25 =	sadd.s32 s31, s26;
	[sflag:s3] =	ssyncadd.s32 $0xFFFFFFC0  }
0x68: {  	[tilespmem:s1], [sflag:$0x2] =	stream.linear.gather [hbm4b:s25+s1], $0x40, $0x38;
	[tilespmem:$0x100] =	vst v63  }
0x69: {  	_ =	swait.ge [sflag:s3], $0x40  }
0x6a: {  	[sflag:s3] =	ssyncset.done $0x0  }
0x6b: {  	[sflag:s3] =	ssyncadd.s32 $0xFFFFFFC0  }
0x6c: {  	[tilespmem:s6], [sflag:$0x1] =	stream.indirect.gather [hbm4b:s23+s5], $0x1, s1, s5, $0xb8;
	[tilespmem:$0x100] =	vst v63  }
0x6d: {  	_ =	swait.ge [sflag:s7], $0x40  }
0x6e: {  	[sflag:s7] =	ssyncset.done $0x0  }
0x6f: {  	s26 =	sadd.s32 s2, s26;
	[dreg:$0x6] =	wrdreg s2;
	[sflag:s7] =	ssyncadd.s32 $0xFFFFFFC0  }
0x70: {  	[hbm4b:s26+s1] =	stream.linear.scatter [tilespmem:s6], [sflag:$0x2], $0x40, $0x38;
	[tilespmem:$0x100] =	vst v63  }
0x71: {  	_ =	swait.ge [sflag:s3], $0x40  }
0x72: {  	s29 =	sor.u32 $0x810, s30;
	[sflag:s3] =	ssyncset.done $0x0  }
0x73: {  	s28 =	sadd.s32 s31, s29;
	[sflag:s3] =	ssyncadd.s32 $0xFFFFFFC0  }
0x74: {  	[tilespmem:s1], [sflag:$0x2] =	stream.linear.gather [hbm4b:s28+s1], $0x40, $0x38;
	[tilespmem:$0x100] =	vst v63  }
0x75: {  	_ =	swait.ge [sflag:s3], $0x40  }
0x76: {  	[sflag:s3] =	ssyncset.done $0x0  }
0x77: {  	[sflag:s3] =	ssyncadd.s32 $0xFFFFFFC0  }
0x78: {  	[tilespmem:s6], [sflag:$0x1] =	stream.indirect.gather [hbm4b:s23+s5], $0x1, s1, s5, $0xb8;
	[tilespmem:$0x100] =	vst v63  }
0x79: {  	_ =	swait.ge [sflag:s7], $0x40  }
0x7a: {  	[sflag:s7] =	ssyncset.done $0x0  }
0x7b: {  	s29 =	sadd.s32 s2, s29;
	[sflag:s7] =	ssyncadd.s32 $0xFFFFFFC0  }
0x7c: {  	[hbm4b:s29+s1] =	stream.linear.scatter [tilespmem:s6], [sflag:$0x2], $0x40, $0x38;
	[tilespmem:$0x100] =	vst v63  }
0x7d: {  	_ =	swait.ge [sflag:s3], $0x40  }
0x7e: {  	s0 =	sor.u32 $0x820, s30;
	[sflag:s3] =	ssyncset.done $0x0  }
0x7f: {  	s30 =	sadd.s32 s31, s0;
	[sflag:s3] =	ssyncadd.s32 $0xFFFFFFC0  }
0x80: {  	[tilespmem:s1], [sflag:$0x2] =	stream.linear.gather [hbm4b:s30+s1], $0x40, $0x38;
	[tilespmem:$0x100] =	vst v63  }
0x81: {  	_ =	swait.ge [sflag:s3], $0x40  }
0x82: {  	[sflag:s3] =	ssyncset.done $0x0;
	s2 =	rddreg [dreg:$0x5]  }
0x83: {  	s31 =	ssub.s32 $0x2, s2;
	[sflag:s3] =	ssyncadd.s32 $0xFFFFFFC0  }
0x84: {  	[tilespmem:s6], [sflag:$0x1] =	stream.indirect.gather [hbm4b:s23+s5], $0x1, s1, s5, $0xb8;
	[tilespmem:$0x100] =	vst v63  }
0x85: {  	s2 =	sshrl.u32 s31, $0x1  }
0x86: {  	s2 =	ssub.s32 s31, s2  }
0x87: {  	s2 =	smax.u32 s2, $0x1  }
0x88: {  	_ =	swait.ge [sflag:s7], $0x40;
	p0 =	sne.s32 s2, $0x1  }
.Ltmp0:
0x89: {  	[sflag:s7] =	ssyncset.done $0x0;
	s31 =	rddreg [dreg:$0x6];
	(pc) =	sbr.rel @!p0 .LBB2_2-.Ltmp0, $4  }
0x8a: {  	s31 =	sadd.s32 s31, s0;
	[sflag:s7] =	ssyncadd.s32 $0xFFFFFFC0  }
0x8b: {  	[hbm4b:s31+s1] =	stream.linear.scatter [tilespmem:s6], [sflag:$0x2], $0x40, $0x38;
	[tilespmem:$0x100] =	vst v63  }
0x8c: {  	_ =	swait.ge [sflag:s3], $0x40  }
0x8d: {  	s0 =	sadd.s32 $0xFFFFFFFF, s2;
	[sflag:s3] =	ssyncset.done $0x0  }
.LBB2_1:
0x8e: {  	[sflag:s3] =	ssyncadd.s32 $0xFFFFFFC0  }
0x8f: {  	[tilespmem:s1], [sflag:$0x2] =	stream.linear.gather [hbm4b:s4+s1], $0x40, $0x38;
	[tilespmem:$0x100] =	vst v63  }
0x90: {  	_ =	swait.ge [sflag:s3], $0x40  }
0x91: {  	[sflag:s3] =	ssyncset.done $0x0  }
0x92: {  	s2 =	rddreg [dreg:$0x2];
	[sflag:s3] =	ssyncadd.s32 $0xFFFFFFC0  }
0x93: {  	[tilespmem:s6], [sflag:$0x1] =	stream.indirect.gather [hbm4b:s2+s5], $0x1, s1, s5, $0xb8;
	[tilespmem:$0x100] =	vst v63  }
0x94: {  	_ =	swait.ge [sflag:s7], $0x40  }
0x95: {  	[sflag:s7] =	ssyncset.done $0x0  }
0x96: {  	[sflag:s7] =	ssyncadd.s32 $0xFFFFFFC0  }
0x97: {  	[hbm4b:s8+s1] =	stream.linear.scatter [tilespmem:s6], [sflag:$0x2], $0x40, $0x38;
	[tilespmem:$0x100] =	vst v63  }
0x98: {  	_ =	swait.ge [sflag:s3], $0x40  }
0x99: {  	[sflag:s3] =	ssyncset.done $0x0  }
0x9a: {  	[sflag:s3] =	ssyncadd.s32 $0xFFFFFFC0  }
0x9b: {  	[tilespmem:s1], [sflag:$0x2] =	stream.linear.gather [hbm4b:s9+s1], $0x40, $0x38;
	[tilespmem:$0x100] =	vst v63  }
0x9c: {  	_ =	swait.ge [sflag:s3], $0x40  }
0x9d: {  	[sflag:s3] =	ssyncset.done $0x0  }
0x9e: {  	s2 =	rddreg [dreg:$0x3];
	[sflag:s3] =	ssyncadd.s32 $0xFFFFFFC0  }
0x9f: {  	[tilespmem:s6], [sflag:$0x1] =	stream.indirect.gather [hbm4b:s2+s5], $0x1, s1, s5, $0xb8;
	[tilespmem:$0x100] =	vst v63  }
0xa0: {  	_ =	swait.ge [sflag:s7], $0x40  }
0xa1: {  	[sflag:s7] =	ssyncset.done $0x0  }
0xa2: {  	[sflag:s7] =	ssyncadd.s32 $0xFFFFFFC0  }
0xa3: {  	[hbm4b:s10+s1] =	stream.linear.scatter [tilespmem:s6], [sflag:$0x2], $0x40, $0x38;
	[tilespmem:$0x100] =	vst v63  }
0xa4: {  	_ =	swait.ge [sflag:s3], $0x40  }
0xa5: {  	[sflag:s3] =	ssyncset.done $0x0  }
0xa6: {  	[sflag:s3] =	ssyncadd.s32 $0xFFFFFFC0  }
0xa7: {  	[tilespmem:s1], [sflag:$0x2] =	stream.linear.gather [hbm4b:s11+s1], $0x40, $0x38;
	[tilespmem:$0x100] =	vst v63  }
0xa8: {  	_ =	swait.ge [sflag:s3], $0x40  }
0xa9: {  	[sflag:s3] =	ssyncset.done $0x0  }
0xaa: {  	s2 =	rddreg [dreg:$0x4];
	[sflag:s3] =	ssyncadd.s32 $0xFFFFFFC0  }
0xab: {  	[tilespmem:s6], [sflag:$0x1] =	stream.indirect.gather [hbm4b:s2+s5], $0x1, s1, s5, $0xb8;
	[tilespmem:$0x100] =	vst v63  }
0xac: {  	_ =	swait.ge [sflag:s7], $0x40  }
0xad: {  	[sflag:s7] =	ssyncset.done $0x0  }
0xae: {  	[sflag:s7] =	ssyncadd.s32 $0xFFFFFFC0  }
0xaf: {  	[hbm4b:s12+s1] =	stream.linear.scatter [tilespmem:s6], [sflag:$0x2], $0x40, $0x38;
	[tilespmem:$0x100] =	vst v63  }
0xb0: {  	_ =	swait.ge [sflag:s3], $0x40  }
0xb1: {  	[sflag:s3] =	ssyncset.done $0x0  }
0xb2: {  	[sflag:s3] =	ssyncadd.s32 $0xFFFFFFC0  }
0xb3: {  	[tilespmem:s1], [sflag:$0x2] =	stream.linear.gather [hbm4b:s13+s1], $0x40, $0x38;
	[tilespmem:$0x100] =	vst v63  }
0xb4: {  	_ =	swait.ge [sflag:s3], $0x40  }
0xb5: {  	[sflag:s3] =	ssyncset.done $0x0  }
0xb6: {  	[sflag:s3] =	ssyncadd.s32 $0xFFFFFFC0  }
0xb7: {  	[tilespmem:s6], [sflag:$0x1] =	stream.indirect.gather [hbm4b:s14+s5], $0x1, s1, s5, $0xb8;
	[tilespmem:$0x100] =	vst v63  }
0xb8: {  	_ =	swait.ge [sflag:s7], $0x40  }
0xb9: {  	[sflag:s7] =	ssyncset.done $0x0  }
0xba: {  	[sflag:s7] =	ssyncadd.s32 $0xFFFFFFC0  }
0xbb: {  	[hbm4b:s15+s1] =	stream.linear.scatter [tilespmem:s6], [sflag:$0x2], $0x40, $0x38;
	[tilespmem:$0x100] =	vst v63  }
0xbc: {  	_ =	swait.ge [sflag:s3], $0x40  }
0xbd: {  	[sflag:s3] =	ssyncset.done $0x0  }
0xbe: {  	[sflag:s3] =	ssyncadd.s32 $0xFFFFFFC0  }
0xbf: {  	[tilespmem:s1], [sflag:$0x2] =	stream.linear.gather [hbm4b:s16+s1], $0x40, $0x38;
	[tilespmem:$0x100] =	vst v63  }
0xc0: {  	_ =	swait.ge [sflag:s3], $0x40  }
0xc1: {  	[sflag:s3] =	ssyncset.done $0x0  }
0xc2: {  	[sflag:s3] =	ssyncadd.s32 $0xFFFFFFC0  }
0xc3: {  	[tilespmem:s6], [sflag:$0x1] =	stream.indirect.gather [hbm4b:s14+s5], $0x1, s1, s5, $0xb8;
	[tilespmem:$0x100] =	vst v63  }
0xc4: {  	_ =	swait.ge [sflag:s7], $0x40  }
0xc5: {  	[sflag:s7] =	ssyncset.done $0x0  }
0xc6: {  	[sflag:s7] =	ssyncadd.s32 $0xFFFFFFC0  }
0xc7: {  	[hbm4b:s17+s1] =	stream.linear.scatter [tilespmem:s6], [sflag:$0x2], $0x40, $0x38;
	[tilespmem:$0x100] =	vst v63  }
0xc8: {  	_ =	swait.ge [sflag:s3], $0x40  }
0xc9: {  	[sflag:s3] =	ssyncset.done $0x0  }
0xca: {  	[sflag:s3] =	ssyncadd.s32 $0xFFFFFFC0  }
0xcb: {  	[tilespmem:s1], [sflag:$0x2] =	stream.linear.gather [hbm4b:s18+s1], $0x40, $0x38;
	[tilespmem:$0x100] =	vst v63  }
0xcc: {  	_ =	swait.ge [sflag:s3], $0x40  }
0xcd: {  	[sflag:s3] =	ssyncset.done $0x0  }
0xce: {  	[sflag:s3] =	ssyncadd.s32 $0xFFFFFFC0  }
0xcf: {  	[tilespmem:s6], [sflag:$0x1] =	stream.indirect.gather [hbm4b:s14+s5], $0x1, s1, s5, $0xb8;
	[tilespmem:$0x100] =	vst v63  }
0xd0: {  	_ =	swait.ge [sflag:s7], $0x40  }
0xd1: {  	[sflag:s7] =	ssyncset.done $0x0  }
0xd2: {  	[sflag:s7] =	ssyncadd.s32 $0xFFFFFFC0  }
0xd3: {  	[hbm4b:s19+s1] =	stream.linear.scatter [tilespmem:s6], [sflag:$0x2], $0x40, $0x38;
	[tilespmem:$0x100] =	vst v63  }
0xd4: {  	_ =	swait.ge [sflag:s3], $0x40  }
0xd5: {  	[sflag:s3] =	ssyncset.done $0x0  }
0xd6: {  	[sflag:s3] =	ssyncadd.s32 $0xFFFFFFC0  }
0xd7: {  	[tilespmem:s1], [sflag:$0x2] =	stream.linear.gather [hbm4b:s20+s1], $0x40, $0x38;
	[tilespmem:$0x100] =	vst v63  }
0xd8: {  	_ =	swait.ge [sflag:s3], $0x40  }
0xd9: {  	[sflag:s3] =	ssyncset.done $0x0  }
0xda: {  	[sflag:s3] =	ssyncadd.s32 $0xFFFFFFC0  }
0xdb: {  	[tilespmem:s6], [sflag:$0x1] =	stream.indirect.gather [hbm4b:s14+s5], $0x1, s1, s5, $0xb8;
	[tilespmem:$0x100] =	vst v63  }
0xdc: {  	_ =	swait.ge [sflag:s7], $0x40  }
0xdd: {  	[sflag:s7] =	ssyncset.done $0x0  }
0xde: {  	[sflag:s7] =	ssyncadd.s32 $0xFFFFFFC0  }
0xdf: {  	[hbm4b:s21+s1] =	stream.linear.scatter [tilespmem:s6], [sflag:$0x2], $0x40, $0x38;
	[tilespmem:$0x100] =	vst v63  }
0xe0: {  	_ =	swait.ge [sflag:s3], $0x40  }
0xe1: {  	[sflag:s3] =	ssyncset.done $0x0  }
0xe2: {  	[sflag:s3] =	ssyncadd.s32 $0xFFFFFFC0  }
0xe3: {  	[tilespmem:s1], [sflag:$0x2] =	stream.linear.gather [hbm4b:s22+s1], $0x40, $0x38;
	[tilespmem:$0x100] =	vst v63  }
0xe4: {  	_ =	swait.ge [sflag:s3], $0x40  }
0xe5: {  	[sflag:s3] =	ssyncset.done $0x0  }
0xe6: {  	[sflag:s3] =	ssyncadd.s32 $0xFFFFFFC0  }
0xe7: {  	[tilespmem:s6], [sflag:$0x1] =	stream.indirect.gather [hbm4b:s23+s5], $0x1, s1, s5, $0xb8;
	[tilespmem:$0x100] =	vst v63  }
0xe8: {  	_ =	swait.ge [sflag:s7], $0x40  }
0xe9: {  	[sflag:s7] =	ssyncset.done $0x0  }
0xea: {  	[sflag:s7] =	ssyncadd.s32 $0xFFFFFFC0  }
0xeb: {  	[hbm4b:s24+s1] =	stream.linear.scatter [tilespmem:s6], [sflag:$0x2], $0x40, $0x38;
	[tilespmem:$0x100] =	vst v63  }
0xec: {  	_ =	swait.ge [sflag:s3], $0x40  }
0xed: {  	[sflag:s3] =	ssyncset.done $0x0  }
0xee: {  	[sflag:s3] =	ssyncadd.s32 $0xFFFFFFC0  }
0xef: {  	[tilespmem:s1], [sflag:$0x2] =	stream.linear.gather [hbm4b:s25+s1], $0x40, $0x38;
	[tilespmem:$0x100] =	vst v63  }
0xf0: {  	_ =	swait.ge [sflag:s3], $0x40  }
0xf1: {  	[sflag:s3] =	ssyncset.done $0x0  }
0xf2: {  	[sflag:s3] =	ssyncadd.s32 $0xFFFFFFC0  }
0xf3: {  	[tilespmem:s6], [sflag:$0x1] =	stream.indirect.gather [hbm4b:s23+s5], $0x1, s1, s5, $0xb8;
	[tilespmem:$0x100] =	vst v63  }
0xf4: {  	_ =	swait.ge [sflag:s7], $0x40  }
0xf5: {  	[sflag:s7] =	ssyncset.done $0x0  }
0xf6: {  	[sflag:s7] =	ssyncadd.s32 $0xFFFFFFC0  }
0xf7: {  	[hbm4b:s26+s1] =	stream.linear.scatter [tilespmem:s6], [sflag:$0x2], $0x40, $0x38;
	[tilespmem:$0x100] =	vst v63  }
0xf8: {  	_ =	swait.ge [sflag:s3], $0x40  }
0xf9: {  	[sflag:s3] =	ssyncset.done $0x0  }
0xfa: {  	[sflag:s3] =	ssyncadd.s32 $0xFFFFFFC0  }
0xfb: {  	[tilespmem:s1], [sflag:$0x2] =	stream.linear.gather [hbm4b:s28+s1], $0x40, $0x38;
	[tilespmem:$0x100] =	vst v63  }
0xfc: {  	_ =	swait.ge [sflag:s3], $0x40  }
0xfd: {  	[sflag:s3] =	ssyncset.done $0x0  }
0xfe: {  	[sflag:s3] =	ssyncadd.s32 $0xFFFFFFC0  }
0xff: {  	[tilespmem:s6], [sflag:$0x1] =	stream.indirect.gather [hbm4b:s23+s5], $0x1, s1, s5, $0xb8;
	[tilespmem:$0x100] =	vst v63  }
0x100: {  	_ =	swait.ge [sflag:s7], $0x40  }
0x101: {  	[sflag:s7] =	ssyncset.done $0x0  }
0x102: {  	[sflag:s7] =	ssyncadd.s32 $0xFFFFFFC0  }
0x103: {  	[hbm4b:s29+s1] =	stream.linear.scatter [tilespmem:s6], [sflag:$0x2], $0x40, $0x38;
	[tilespmem:$0x100] =	vst v63  }
0x104: {  	_ =	swait.ge [sflag:s3], $0x40  }
0x105: {  	[sflag:s3] =	ssyncset.done $0x0  }
0x106: {  	[sflag:s3] =	ssyncadd.s32 $0xFFFFFFC0  }
0x107: {  	[tilespmem:s1], [sflag:$0x2] =	stream.linear.gather [hbm4b:s30+s1], $0x40, $0x38;
	[tilespmem:$0x100] =	vst v63  }
0x108: {  	_ =	swait.ge [sflag:s3], $0x40  }
0x109: {  	[sflag:s3] =	ssyncset.done $0x0  }
0x10a: {  	[sflag:s3] =	ssyncadd.s32 $0xFFFFFFC0  }
0x10b: {  	[tilespmem:s6], [sflag:$0x1] =	stream.indirect.gather [hbm4b:s23+s5], $0x1, s1, s5, $0xb8;
	[tilespmem:$0x100] =	vst v63  }
0x10c: {  	p0 =	sne.s32 s0, $0x1;
	_ =	swait.ge [sflag:s7], $0x40  }
.Ltmp1:
0x10d: {  	[sflag:s7] =	ssyncset.done $0x0;
	(pc) =	sbr.rel @p0 .LBB2_1-.Ltmp1, $4  }
0x10e: {  	[sflag:s7] =	ssyncadd.s32 $0xFFFFFFC0  }
0x10f: {  	[hbm4b:s31+s1] =	stream.linear.scatter [tilespmem:s6], [sflag:$0x2], $0x40, $0x38;
	[tilespmem:$0x100] =	vst v63  }
0x110: {  	_ =	swait.ge [sflag:s3], $0x40  }
0x111: {  	s0 =	sadd.s32 $0xFFFFFFFF, s0;
	[sflag:s3] =	ssyncset.done $0x0  }
.LBB2_2:
0x112: {  	[sflag:s3] =	ssyncadd.s32 $0xFFFFFFC0  }
0x113: {  	_ =	sfence.sel $0x180000  }
0x114: {  	[bflag:$0x0] =	sbarrier.arrive $0xFFFF  }
0x115: {  	_ =	strace $0x90000047  }
0x116: {  	s0 =	stileid.u32;
	[bflag:$0x2] =	sbarrier.arrive $0xFFFF  }
0x117: {  	p0 =	sne.s32 s0, $0x0;
	s0 =	rddreg [dreg:$0x1]  }
0x118: {  	s0 =	sadd.s32 @!p0 $0x100000, s0  }
0x119: {  	[sflag:s0] =	ssyncadd.tile.s32 @!p0 $0x1;
	_ =	shalt  }
.Lfunc_end2:
_tile_overlayer_lowered:
.L_overlay_start_2:
0x11a: {  	(tag) =	ssettag $0x2  }
0x11b: {  	s0 =	rddreg [dreg:$0x0];
	s2 =	stileid.u32  }
0x11c: {  	s1 =	rddreg [dreg:$0x1];
	p0 =	sne.s32 s2, $0x0  }
0x11d: {  	s3 =	rddreg [dreg:$0x2];
	[bflag:$0x3] =	sbarrier.arrive $0xFFFF;
	s2 =	simm.s32 @!p0 $0x1C02  }
0x11e: {  	[timem:s3], [sflag:s2] =	dma.local @!p0 [hbm:s0], s1  }
0x11f: {  	s0 =	simm.s32 @!p0 $0x2  }
0x120: {  	_ =	swait.ge @!p0 [sflag:s0], s1  }
0x121: {  	s1 =	ssub.s32 @!p0 $0x0, s1;
	[sflag:s0] =	ssyncset.done @!p0 $0x0  }
0x122: {  	[sflag:s0] =	ssyncadd.s32 @!p0 s1  }
0x123: {  	[bflag:$0x3] =	sbarrier.arrive $0xFFFF  }
0x124: {  	_ =	shalt  }

</sc_bundles>
